<compile_context>
chip_gen: v7x
topology: tpu7x:2x2x1
jax: 0.10.2.dev20260603
libtpu: 0.0.44.dev20260713+nightly
codegen_flags: <defaults>
</compile_context>

<pallas_src>
import functools

import jax
import jax.numpy as jnp
from jax import lax
from jax.experimental import pallas as pl
from jax.experimental.pallas import tpu as pltpu
from jax.experimental.pallas import tpu_sc as plsc

_N = 10000
_E = 160000
_DF = 256
_EMB = 256
_H = 4
_G = 64
_D1 = 16
_C = _G * _D1
_HG = _H * _G
_SV = 16

_PW = 384
_DW = 128

_NB = 1000
_EB = 2000

_HIGH = lax.Precision.HIGHEST


def _embed_body(msg_ref, x_ref, wg_ref, asrc_ref, adst_ref, wfc_ref, bfc_ref,
                pn_ref, sv_ref):
    msg = msg_ref[...]
    wfc = wfc_ref[...]
    msgp = lax.dot_general(msg, wfc, (((1,), (1,)), ((), ())),
                           precision=_HIGH)
    msgp = msgp + bfc_ref[...][0:1, :]
    wg = wg_ref[...]
    qs = []
    vcols = []
    for h in range(_H):
        wh = wg[h]
        qs.append(lax.dot_general(wh, msgp, (((1,), (1,)), ((), ())),
                                  precision=_HIGH))
    for h in range(_H):
        ah = asrc_ref[...][h:h + 1, :]
        vcols.append(lax.dot_general(wg[h], ah, (((1,), (1,)), ((), ())),
                                     precision=_HIGH))
    for h in range(_H):
        ah = adst_ref[...][h:h + 1, :]
        vcols.append(lax.dot_general(wg[h], ah, (((1,), (1,)), ((), ())),
                                     precision=_HIGH))
    zpad1 = jnp.zeros((_DF, _PW - _HG - _H), jnp.float32)
    m1 = jnp.concatenate(qs + vcols[:_H] + [zpad1], axis=1)
    zpad2 = jnp.zeros((_DF, _DW - _H), jnp.float32)
    m2 = jnp.concatenate(vcols[_H:] + [zpad2], axis=1)
    xb = x_ref[...]
    pn_ref[...] = lax.dot_general(xb, m1, (((1,), (0,)), ((), ())),
                                  precision=_HIGH)
    sv_ref[...] = lax.dot_general(xb, m2, (((1,), (0,)), ((), ())),
                                  precision=_HIGH)


def _embed(message, x, w_gat, a_src, a_dst, w_fc, b_fc):
    nblk = _N // _NB
    full = lambda s: pl.BlockSpec(s, lambda i: tuple(0 for _ in s))
    return pl.pallas_call(
        _embed_body,
        grid=(nblk,),
        in_specs=[
            full(message.shape),
            pl.BlockSpec((_NB, _DF), lambda i: (i, 0)),
            full(w_gat.shape),
            full(a_src.shape),
            full(a_dst.shape),
            full(w_fc.shape),
            pl.BlockSpec((1, _EMB), lambda i: (0, 0)),
        ],
        out_specs=[
            pl.BlockSpec((_NB, _PW), lambda i: (i, 0)),
            pl.BlockSpec((_NB, _DW), lambda i: (i, 0)),
        ],
        out_shape=[
            jax.ShapeDtypeStruct((_N, _PW), jnp.float32),
            jax.ShapeDtypeStruct((_N, _DW), jnp.float32),
        ],
    )(message, x, w_gat, a_src, a_dst, w_fc, b_fc.reshape(1, _EMB))


_CH = 40
_NBUF = 5


def _make_gather():
    info = plsc.get_sparse_core_info()
    nw = info.num_cores * info.num_subcores
    bpw = _E // nw
    nch = bpw // _CH
    mesh = plsc.VectorSubcoreMesh(core_axis_name="c", subcore_axis_name="s")

    @functools.partial(
        pl.kernel, mesh=mesh,
        out_type=[
            jax.ShapeDtypeStruct((_E, _PW), jnp.float32),
            jax.ShapeDtypeStruct((_E, _DW), jnp.float32),
        ],
        scratch_types=[
            pltpu.VMEM((bpw,), jnp.int32),
            pltpu.VMEM((bpw,), jnp.int32),
            pltpu.VMEM((_NBUF, _CH, _PW), jnp.float32),
            pltpu.VMEM((_NBUF, _CH, _DW), jnp.float32),
            pltpu.SemaphoreType.DMA,
            pltpu.SemaphoreType.DMA,
        ],
    )
    def gather_k(pn_hbm, sv_hbm, src_hbm, dst_hbm, pno_hbm, gdo_hbm,
                 src_v, dst_v, pn_rows, gd_rows, sem1, sem2):
        wid = lax.axis_index("s") * info.num_cores + lax.axis_index("c")
        base = wid * bpw
        pltpu.sync_copy(src_hbm.at[pl.ds(base, bpw)], src_v)
        pltpu.sync_copy(dst_hbm.at[pl.ds(base, bpw)], dst_v)

        def body(i, carry):
            soff = i * (_NBUF * _CH)
            copies = []
            for b in range(_NBUF):
                off = soff + b * _CH
                copies.append(pltpu.async_copy(
                    pn_hbm.at[src_v.at[pl.ds(off, _CH)]],
                    pn_rows.at[b], sem1))
                copies.append(pltpu.async_copy(
                    sv_hbm.at[dst_v.at[pl.ds(off, _CH)]],
                    gd_rows.at[b], sem2))
            for c in copies:
                c.wait()
            for b in range(_NBUF):
                off = soff + b * _CH
                pltpu.sync_copy(pn_rows.at[b],
                                pno_hbm.at[pl.ds(base + off, _CH)])
                pltpu.sync_copy(gd_rows.at[b],
                                gdo_hbm.at[pl.ds(base + off, _CH)])
            return carry

        lax.fori_loop(0, nch // _NBUF, body, 0)

    return gather_k


def _reduce_body(pns_ref, gd_ref, dst_ref, idx_ref, numer_ref, denom_ref):
    @pl.when(pl.program_id(0) == 0)
    def _():
        numer_ref[...] = jnp.zeros_like(numer_ref)
        denom_ref[...] = jnp.zeros_like(denom_ref)

    dstrow = dst_ref[0, :, :]
    idxcol = idx_ref[:, 0:1]
    maskf = (idxcol == dstrow).astype(jnp.float32)

    pns = pns_ref[...]
    t = pns[:, _HG:_HG + _H] + gd_ref[...][:, 0:_H]
    t = jnp.where(t > 0, t, 0.2 * t)
    w = jnp.exp(t)

    vparts = [w[:, h:h + 1] * pns[:, h * _G:(h + 1) * _G] for h in range(_H)]
    v = jnp.concatenate(vparts, axis=1)
    wpad = jnp.concatenate([w, jnp.zeros_like(w)], axis=1)

    numer_ref[...] += jnp.dot(maskf, v, preferred_element_type=jnp.float32)
    denom_ref[...] += jnp.dot(maskf, wpad, preferred_element_type=jnp.float32)


def _edge_reduce(pnsrc, gd, dst3, idxb):
    nblk = _E // _EB
    return pl.pallas_call(
        _reduce_body,
        grid=(nblk,),
        in_specs=[
            pl.BlockSpec((_EB, _PW), lambda i: (i, 0)),
            pl.BlockSpec((_EB, _DW), lambda i: (i, 0)),
            pl.BlockSpec((1, 1, _EB), lambda i: (i, 0, 0)),
            pl.BlockSpec((_C, 128), lambda i: (0, 0)),
        ],
        out_specs=[
            pl.BlockSpec((_C, _HG), lambda i: (0, 0)),
            pl.BlockSpec((_C, 2 * _H), lambda i: (0, 0)),
        ],
        out_shape=[
            jax.ShapeDtypeStruct((_C, _HG), jnp.float32),
            jax.ShapeDtypeStruct((_C, 2 * _H), jnp.float32),
        ],
    )(pnsrc, gd, dst3, idxb)


def _pick_body(numer_ref, denom_ref, out_ref):
    num = numer_ref[...]
    den = denom_ref[...]
    rowg = lax.broadcasted_iota(jnp.int32, (_C, _G), 0) // _D1
    colg = lax.broadcasted_iota(jnp.int32, (_C, _G), 1)
    sel = (rowg == colg).astype(jnp.float32)
    acc = jnp.zeros((_C, 1), jnp.float32)
    for h in range(_H):
        numh = num[:, h * _G:(h + 1) * _G]
        picked = jnp.sum(numh * sel, axis=1, keepdims=True)
        dh = den[:, h:h + 1]
        safe = jnp.where(dh > 0, dh, 1.0)
        acc = acc + jnp.where(dh > 0, picked / safe, 0.0)
    out_ref[...] = jnp.broadcast_to(acc / _H, (_C, 8))


def _pick(numer, denom):
    return pl.pallas_call(
        _pick_body,
        out_shape=jax.ShapeDtypeStruct((_C, 8), jnp.float32),
    )(numer, denom)


def _lsm_body(d_ref, out_ref):
    t = d_ref[...]
    m = jnp.max(t, axis=1, keepdims=True)
    s = jnp.exp(t - m)
    out_ref[...] = (t - m) - jnp.log(jnp.sum(s, axis=1, keepdims=True))


def _log_softmax(dots):
    return pl.pallas_call(
        _lsm_body,
        out_shape=jax.ShapeDtypeStruct((_G, _D1), jnp.float32),
    )(dots)


def kernel(message, x, W_gat, a_src, a_dst, b_gat, W_fc, b_fc,
           edge_index, indices):
    del b_gat
    src = edge_index[0]
    dst = edge_index[1]
    pn, sv = _embed(message, x, W_gat, a_src, a_dst, W_fc, b_fc)
    pnsrc, gd = _make_gather()(pn, sv, src, dst)
    dst3 = dst.reshape(_E // _EB, 1, _EB)
    idxb = jnp.broadcast_to(indices[:, None], (_C, 128))
    numer, denom = _edge_reduce(pnsrc, gd, dst3, idxb)
    picked = _pick(numer, denom)
    dots = picked[:, 0].reshape(_G, _D1)
    return _log_softmax(dots)

# --- scband reference (transcript-rebuilt; emitter-appended) ---
"""Pipeline reference for scband-receiver-7559142441570 (READ-ONLY COPY).

The authoritative reference and input builder live on the scoring server;
editing this copy changes nothing except your own understanding.
"""

import jax, jax.numpy as jnp
import numpy as np

N = 10000
E = 160000
DFEAT = 256
EMB = 256
HEADS = 4
G = 64
DIST = 15
HID = 512


def setup_inputs(seed: int = 0) -> dict:
    key = jax.random.key(seed)
    ks = jax.random.split(key, 10)
    x = jax.random.normal(ks[0], (N, DFEAT), dtype=jnp.float32)
    edge_index = jax.random.randint(ks[1], (2, E), 0, N, dtype=jnp.int32)
    message = jax.random.normal(ks[2], (G, HID), dtype=jnp.float32)
    indices = jax.random.randint(ks[3], (G * (DIST + 1),), 0, N, dtype=jnp.int32)
    W_gat = jax.random.normal(ks[4], (HEADS, DFEAT, EMB), dtype=jnp.float32) * 0.05
    a_src = jax.random.normal(ks[5], (HEADS, EMB), dtype=jnp.float32) * 0.05
    a_dst = jax.random.normal(ks[6], (HEADS, EMB), dtype=jnp.float32) * 0.05
    b_gat = jnp.zeros((EMB,), dtype=jnp.float32)
    W_fc = jax.random.normal(ks[7], (EMB, HID), dtype=jnp.float32) * 0.05
    b_fc = jnp.zeros((EMB,), dtype=jnp.float32)
    return {
        "message": message,
        "x": x,
        "W_gat": W_gat,
        "a_src": a_src,
        "a_dst": a_dst,
        "b_gat": b_gat,
        "W_fc": W_fc,
        "b_fc": b_fc,
        "edge_index": edge_index,
        "indices": indices,
    }


def reference(message, x, W_gat, a_src, a_dst, b_gat, W_fc, b_fc, edge_index, indices):
    src = edge_index[0]
    dst = edge_index[1]
    # GAT layer (multi-head, concat=False -> mean over heads)
    Wx = jnp.einsum('nd,hde->nhe', x, W_gat)               # [N, H, EMB]
    alpha_s = jnp.sum(Wx * a_src[None, :, :], axis=-1)      # [N, H]
    alpha_d = jnp.sum(Wx * a_dst[None, :, :], axis=-1)      # [N, H]
    e = jax.nn.leaky_relu(alpha_s[src] + alpha_d[dst], 0.2) # [E, H]
    emax = jax.ops.segment_max(e, dst, num_segments=N)      # [N, H]
    emax = jnp.where(jnp.isfinite(emax), emax, 0.0)
    m = jnp.exp(e - emax[dst])                               # [E, H]
    denom = jax.ops.segment_sum(m, dst, num_segments=N)      # [N, H]
    alpha = m / (denom[dst] + 1e-16)                          # [E, H]
    agg = jax.ops.segment_sum(alpha[:, :, None] * Wx[src], dst, num_segments=N)  # [N, H, EMB]
    h = jnp.mean(agg, axis=1) + b_gat                         # [N, EMB]
    # message projection
    msg = message @ W_fc.T + b_fc                             # [G, EMB]
    # gather candidate embeddings and score
    emb = h[indices].reshape(G, DIST + 1, EMB)                # [G, D+1, EMB]
    dots = jnp.einsum('gde,ge->gd', emb, msg)                 # [G, D+1]
    return jax.nn.log_softmax(dots, axis=1)

if __name__ == "__main__":
    import jax
    _d = setup_inputs()
    print(jax.jit(kernel)(*tuple(_d.values())))

</pallas_src>

<mosaic_0001>
#map = affine_map<(d0, d1) -> (0, 0)>
#map1 = affine_map<(d0, d1) -> (0)>
module attributes {stable_mosaic.version = 14 : i64} {
  func.func @gather_k(%arg0: i32, %arg1: i32, %arg2: memref<10000x384xf32, #tpu.memory_space<hbm>>, %arg3: memref<10000x128xf32, #tpu.memory_space<hbm>>, %arg4: memref<160000xi32, #tpu.memory_space<hbm>>, %arg5: memref<160000xi32, #tpu.memory_space<hbm>>, %arg6: memref<160000x384xf32, #tpu.memory_space<hbm>>, %arg7: memref<160000x128xf32, #tpu.memory_space<hbm>>, %arg8: memref<5000xi32, #tpu.memory_space<vmem>>, %arg9: memref<5000xi32, #tpu.memory_space<vmem>>, %arg10: memref<5x40x384xf32, #tpu.memory_space<vmem>>, %arg11: memref<5x40x128xf32, #tpu.memory_space<vmem>>, %arg12: memref<!tpu.dma_semaphore, #tpu.memory_space<semaphore_mem>>, %arg13: memref<!tpu.dma_semaphore, #tpu.memory_space<semaphore_mem>>) attributes {dimension_semantics = [#tpu.dimension_semantics<core_parallel>, #tpu.dimension_semantics<subcore_parallel>], iteration_bounds = array<i64: 2, 16>, scalar_prefetch = 0 : i64, scratch_operands = 6 : i64, tpu.core_type = #tpu.core_type<sc_vector_subcore>, window_params = [{transform_indices = #map}, {transform_indices = #map}, {transform_indices = #map1}, {transform_indices = #map1}, {transform_indices = #map}, {transform_indices = #map}]} {
    %mul3A = arith.constant 2 : i32
    %mul3A_0 = arith.muli %arg1, %mul3A : i32
    %add3A = arith.addi %mul3A_0, %arg0 : i32
    %mul3A_1 = arith.constant 5000 : i32
    %mul3A_2 = arith.muli %add3A, %mul3A_1 : i32
    "tpu.region"() ({
      %run_scoped3A = tpu.sem_alloc : memref<!tpu.dma_semaphore, #tpu.memory_space<semaphore_mem>>
      %dma_start3A = tpu.memref_slice %arg4[%mul3A_2] : memref<160000xi32, #tpu.memory_space<hbm>> -> memref<5000xi32, #tpu.memory_space<hbm>>
      %dma_start3A_8 = tpu.memref_slice %arg4[%mul3A_2] : memref<160000xi32, #tpu.memory_space<hbm>> -> memref<5000xi32, #tpu.memory_space<hbm>>
      tpu.enqueue_dma source(%dma_start3A_8 : memref<5000xi32, #tpu.memory_space<hbm>>) target(%arg8 : memref<5000xi32, #tpu.memory_space<vmem>>) target_semaphore(%run_scoped3A : memref<!tpu.dma_semaphore, #tpu.memory_space<semaphore_mem>>)
      %dma_wait3A = tpu.memref_slice %arg4[%mul3A_2] : memref<160000xi32, #tpu.memory_space<hbm>> -> memref<5000xi32, #tpu.memory_space<hbm>>
      %dma_wait3A_9 = tpu.memref_slice %arg4[%mul3A_2] : memref<160000xi32, #tpu.memory_space<hbm>> -> memref<5000xi32, #tpu.memory_space<hbm>>
      tpu.wait_dma2 semaphore(%run_scoped3A : memref<!tpu.dma_semaphore, #tpu.memory_space<semaphore_mem>>) src(%dma_wait3A_9 : memref<5000xi32, #tpu.memory_space<hbm>>) dst(%arg8 : memref<5000xi32, #tpu.memory_space<vmem>>)
      tpu.yield
    }) : () -> ()
    "tpu.region"() ({
      %run_scoped3A = tpu.sem_alloc : memref<!tpu.dma_semaphore, #tpu.memory_space<semaphore_mem>>
      %dma_start3A = tpu.memref_slice %arg5[%mul3A_2] : memref<160000xi32, #tpu.memory_space<hbm>> -> memref<5000xi32, #tpu.memory_space<hbm>>
      %dma_start3A_8 = tpu.memref_slice %arg5[%mul3A_2] : memref<160000xi32, #tpu.memory_space<hbm>> -> memref<5000xi32, #tpu.memory_space<hbm>>
      tpu.enqueue_dma source(%dma_start3A_8 : memref<5000xi32, #tpu.memory_space<hbm>>) target(%arg9 : memref<5000xi32, #tpu.memory_space<vmem>>) target_semaphore(%run_scoped3A : memref<!tpu.dma_semaphore, #tpu.memory_space<semaphore_mem>>)
      %dma_wait3A = tpu.memref_slice %arg5[%mul3A_2] : memref<160000xi32, #tpu.memory_space<hbm>> -> memref<5000xi32, #tpu.memory_space<hbm>>
      %dma_wait3A_9 = tpu.memref_slice %arg5[%mul3A_2] : memref<160000xi32, #tpu.memory_space<hbm>> -> memref<5000xi32, #tpu.memory_space<hbm>>
      tpu.wait_dma2 semaphore(%run_scoped3A : memref<!tpu.dma_semaphore, #tpu.memory_space<semaphore_mem>>) src(%dma_wait3A_9 : memref<5000xi32, #tpu.memory_space<hbm>>) dst(%arg9 : memref<5000xi32, #tpu.memory_space<vmem>>)
      tpu.yield
    }) : () -> ()
    %scan3A = arith.constant 0 : i32
    %scan3A_3 = arith.constant 0 : i32
    %scan3A_4 = arith.constant 25 : i32
    %scan3A_5 = arith.addi %scan3A_3, %scan3A_4 : i32
    %scan3A_6 = arith.constant 1 : i32
    scf.for %scan3A_8 = %scan3A_3 to %scan3A_5 step %scan3A_6  : i32 {
      %mul3A_9 = arith.constant 200 : i32
      %mul3A_10 = arith.muli %scan3A_8, %mul3A_9 : i32
      %add3A_11 = arith.constant 0 : i32
      %add3A_12 = arith.addi %mul3A_10, %add3A_11 : i32
      %dma_start3A = arith.constant 0 : i32
      %dma_start3A_13 = arith.constant 0 : i32
      %dma_start3A_14 = arith.constant 0 : i32
      %dma_start3A_15 = tpu.memref_slice %arg10[%dma_start3A, %dma_start3A_13, %dma_start3A_14] : memref<5x40x384xf32, #tpu.memory_space<vmem>> -> memref<1x40x384xf32, #tpu.memory_space<vmem>>
      %dma_start3A_16 = tpu.memref_squeeze %dma_start3A_15 : memref<1x40x384xf32, #tpu.memory_space<vmem>> -> memref<40x384xf32, #tpu.memory_space<vmem>>
      %dma_start3A_17 = tpu.memref_slice %arg8[%add3A_12] : memref<5000xi32, #tpu.memory_space<vmem>> -> memref<40xi32, #tpu.memory_space<vmem>>
      %dma_start3A_18 = arith.constant 0 : i32
      %dma_start3A_19 = arith.constant 0 : i32
      %dma_start3A_20 = tpu.memref_slice %arg2[%dma_start3A_18, %dma_start3A_19] : memref<10000x384xf32, #tpu.memory_space<hbm>> -> memref<10000x384xf32, #tpu.memory_space<hbm>>
      tpu.enqueue_indirect_dma source(%dma_start3A_20 : memref<10000x384xf32, #tpu.memory_space<hbm>>) target(%dma_start3A_16 : memref<40x384xf32, #tpu.memory_space<vmem>>) offsets(%dma_start3A_17 : memref<40xi32, #tpu.memory_space<vmem>>) semaphore(%arg12 : memref<!tpu.dma_semaphore, #tpu.memory_space<semaphore_mem>>)
      %dma_start3A_21 = arith.constant 0 : i32
      %dma_start3A_22 = arith.constant 0 : i32
      %dma_start3A_23 = arith.constant 0 : i32
      %dma_start3A_24 = tpu.memref_slice %arg11[%dma_start3A_21, %dma_start3A_22, %dma_start3A_23] : memref<5x40x128xf32, #tpu.memory_space<vmem>> -> memref<1x40x128xf32, #tpu.memory_space<vmem>>
      %dma_start3A_25 = tpu.memref_squeeze %dma_start3A_24 : memref<1x40x128xf32, #tpu.memory_space<vmem>> -> memref<40x128xf32, #tpu.memory_space<vmem>>
      %dma_start3A_26 = tpu.memref_slice %arg9[%add3A_12] : memref<5000xi32, #tpu.memory_space<vmem>> -> memref<40xi32, #tpu.memory_space<vmem>>
      %dma_start3A_27 = arith.constant 0 : i32
      %dma_start3A_28 = arith.constant 0 : i32
      %dma_start3A_29 = tpu.memref_slice %arg3[%dma_start3A_27, %dma_start3A_28] : memref<10000x128xf32, #tpu.memory_space<hbm>> -> memref<10000x128xf32, #tpu.memory_space<hbm>>
      tpu.enqueue_indirect_dma source(%dma_start3A_29 : memref<10000x128xf32, #tpu.memory_space<hbm>>) target(%dma_start3A_25 : memref<40x128xf32, #tpu.memory_space<vmem>>) offsets(%dma_start3A_26 : memref<40xi32, #tpu.memory_space<vmem>>) semaphore(%arg13 : memref<!tpu.dma_semaphore, #tpu.memory_space<semaphore_mem>>)
      %add3A_30 = arith.constant 40 : i32
      %add3A_31 = arith.addi %mul3A_10, %add3A_30 : i32
      %dma_start3A_32 = arith.constant 1 : i32
      %dma_start3A_33 = arith.constant 0 : i32
      %dma_start3A_34 = arith.constant 0 : i32
      %dma_start3A_35 = tpu.memref_slice %arg10[%dma_start3A_32, %dma_start3A_33, %dma_start3A_34] : memref<5x40x384xf32, #tpu.memory_space<vmem>> -> memref<1x40x384xf32, #tpu.memory_space<vmem>>
      %dma_start3A_36 = tpu.memref_squeeze %dma_start3A_35 : memref<1x40x384xf32, #tpu.memory_space<vmem>> -> memref<40x384xf32, #tpu.memory_space<vmem>>
      %dma_start3A_37 = tpu.memref_slice %arg8[%add3A_31] : memref<5000xi32, #tpu.memory_space<vmem>> -> memref<40xi32, #tpu.memory_space<vmem>>
      %dma_start3A_38 = arith.constant 0 : i32
      %dma_start3A_39 = arith.constant 0 : i32
      %dma_start3A_40 = tpu.memref_slice %arg2[%dma_start3A_38, %dma_start3A_39] : memref<10000x384xf32, #tpu.memory_space<hbm>> -> memref<10000x384xf32, #tpu.memory_space<hbm>>
      tpu.enqueue_indirect_dma source(%dma_start3A_40 : memref<10000x384xf32, #tpu.memory_space<hbm>>) target(%dma_start3A_36 : memref<40x384xf32, #tpu.memory_space<vmem>>) offsets(%dma_start3A_37 : memref<40xi32, #tpu.memory_space<vmem>>) semaphore(%arg12 : memref<!tpu.dma_semaphore, #tpu.memory_space<semaphore_mem>>)
      %dma_start3A_41 = arith.constant 1 : i32
      %dma_start3A_42 = arith.constant 0 : i32
      %dma_start3A_43 = arith.constant 0 : i32
      %dma_start3A_44 = tpu.memref_slice %arg11[%dma_start3A_41, %dma_start3A_42, %dma_start3A_43] : memref<5x40x128xf32, #tpu.memory_space<vmem>> -> memref<1x40x128xf32, #tpu.memory_space<vmem>>
      %dma_start3A_45 = tpu.memref_squeeze %dma_start3A_44 : memref<1x40x128xf32, #tpu.memory_space<vmem>> -> memref<40x128xf32, #tpu.memory_space<vmem>>
      %dma_start3A_46 = tpu.memref_slice %arg9[%add3A_31] : memref<5000xi32, #tpu.memory_space<vmem>> -> memref<40xi32, #tpu.memory_space<vmem>>
      %dma_start3A_47 = arith.constant 0 : i32
      %dma_start3A_48 = arith.constant 0 : i32
      %dma_start3A_49 = tpu.memref_slice %arg3[%dma_start3A_47, %dma_start3A_48] : memref<10000x128xf32, #tpu.memory_space<hbm>> -> memref<10000x128xf32, #tpu.memory_space<hbm>>
      tpu.enqueue_indirect_dma source(%dma_start3A_49 : memref<10000x128xf32, #tpu.memory_space<hbm>>) target(%dma_start3A_45 : memref<40x128xf32, #tpu.memory_space<vmem>>) offsets(%dma_start3A_46 : memref<40xi32, #tpu.memory_space<vmem>>) semaphore(%arg13 : memref<!tpu.dma_semaphore, #tpu.memory_space<semaphore_mem>>)
      %add3A_50 = arith.constant 80 : i32
      %add3A_51 = arith.addi %mul3A_10, %add3A_50 : i32
      %dma_start3A_52 = arith.constant 2 : i32
      %dma_start3A_53 = arith.constant 0 : i32
      %dma_start3A_54 = arith.constant 0 : i32
      %dma_start3A_55 = tpu.memref_slice %arg10[%dma_start3A_52, %dma_start3A_53, %dma_start3A_54] : memref<5x40x384xf32, #tpu.memory_space<vmem>> -> memref<1x40x384xf32, #tpu.memory_space<vmem>>
      %dma_start3A_56 = tpu.memref_squeeze %dma_start3A_55 : memref<1x40x384xf32, #tpu.memory_space<vmem>> -> memref<40x384xf32, #tpu.memory_space<vmem>>
      %dma_start3A_57 = tpu.memref_slice %arg8[%add3A_51] : memref<5000xi32, #tpu.memory_space<vmem>> -> memref<40xi32, #tpu.memory_space<vmem>>
      %dma_start3A_58 = arith.constant 0 : i32
      %dma_start3A_59 = arith.constant 0 : i32
      %dma_start3A_60 = tpu.memref_slice %arg2[%dma_start3A_58, %dma_start3A_59] : memref<10000x384xf32, #tpu.memory_space<hbm>> -> memref<10000x384xf32, #tpu.memory_space<hbm>>
      tpu.enqueue_indirect_dma source(%dma_start3A_60 : memref<10000x384xf32, #tpu.memory_space<hbm>>) target(%dma_start3A_56 : memref<40x384xf32, #tpu.memory_space<vmem>>) offsets(%dma_start3A_57 : memref<40xi32, #tpu.memory_space<vmem>>) semaphore(%arg12 : memref<!tpu.dma_semaphore, #tpu.memory_space<semaphore_mem>>)
      %dma_start3A_61 = arith.constant 2 : i32
      %dma_start3A_62 = arith.constant 0 : i32
      %dma_start3A_63 = arith.constant 0 : i32
      %dma_start3A_64 = tpu.memref_slice %arg11[%dma_start3A_61, %dma_start3A_62, %dma_start3A_63] : memref<5x40x128xf32, #tpu.memory_space<vmem>> -> memref<1x40x128xf32, #tpu.memory_space<vmem>>
      %dma_start3A_65 = tpu.memref_squeeze %dma_start3A_64 : memref<1x40x128xf32, #tpu.memory_space<vmem>> -> memref<40x128xf32, #tpu.memory_space<vmem>>
      %dma_start3A_66 = tpu.memref_slice %arg9[%add3A_51] : memref<5000xi32, #tpu.memory_space<vmem>> -> memref<40xi32, #tpu.memory_space<vmem>>
      %dma_start3A_67 = arith.constant 0 : i32
      %dma_start3A_68 = arith.constant 0 : i32
      %dma_start3A_69 = tpu.memref_slice %arg3[%dma_start3A_67, %dma_start3A_68] : memref<10000x128xf32, #tpu.memory_space<hbm>> -> memref<10000x128xf32, #tpu.memory_space<hbm>>
      tpu.enqueue_indirect_dma source(%dma_start3A_69 : memref<10000x128xf32, #tpu.memory_space<hbm>>) target(%dma_start3A_65 : memref<40x128xf32, #tpu.memory_space<vmem>>) offsets(%dma_start3A_66 : memref<40xi32, #tpu.memory_space<vmem>>) semaphore(%arg13 : memref<!tpu.dma_semaphore, #tpu.memory_space<semaphore_mem>>)
      %add3A_70 = arith.constant 120 : i32
      %add3A_71 = arith.addi %mul3A_10, %add3A_70 : i32
      %dma_start3A_72 = arith.constant 3 : i32
      %dma_start3A_73 = arith.constant 0 : i32
      %dma_start3A_74 = arith.constant 0 : i32
      %dma_start3A_75 = tpu.memref_slice %arg10[%dma_start3A_72, %dma_start3A_73, %dma_start3A_74] : memref<5x40x384xf32, #tpu.memory_space<vmem>> -> memref<1x40x384xf32, #tpu.memory_space<vmem>>
      %dma_start3A_76 = tpu.memref_squeeze %dma_start3A_75 : memref<1x40x384xf32, #tpu.memory_space<vmem>> -> memref<40x384xf32, #tpu.memory_space<vmem>>
      %dma_start3A_77 = tpu.memref_slice %arg8[%add3A_71] : memref<5000xi32, #tpu.memory_space<vmem>> -> memref<40xi32, #tpu.memory_space<vmem>>
      %dma_start3A_78 = arith.constant 0 : i32
      %dma_start3A_79 = arith.constant 0 : i32
      %dma_start3A_80 = tpu.memref_slice %arg2[%dma_start3A_78, %dma_start3A_79] : memref<10000x384xf32, #tpu.memory_space<hbm>> -> memref<10000x384xf32, #tpu.memory_space<hbm>>
      tpu.enqueue_indirect_dma source(%dma_start3A_80 : memref<10000x384xf32, #tpu.memory_space<hbm>>) target(%dma_start3A_76 : memref<40x384xf32, #tpu.memory_space<vmem>>) offsets(%dma_start3A_77 : memref<40xi32, #tpu.memory_space<vmem>>) semaphore(%arg12 : memref<!tpu.dma_semaphore, #tpu.memory_space<semaphore_mem>>)
      %dma_start3A_81 = arith.constant 3 : i32
      %dma_start3A_82 = arith.constant 0 : i32
      %dma_start3A_83 = arith.constant 0 : i32
      %dma_start3A_84 = tpu.memref_slice %arg11[%dma_start3A_81, %dma_start3A_82, %dma_start3A_83] : memref<5x40x128xf32, #tpu.memory_space<vmem>> -> memref<1x40x128xf32, #tpu.memory_space<vmem>>
      %dma_start3A_85 = tpu.memref_squeeze %dma_start3A_84 : memref<1x40x128xf32, #tpu.memory_space<vmem>> -> memref<40x128xf32, #tpu.memory_space<vmem>>
      %dma_start3A_86 = tpu.memref_slice %arg9[%add3A_71] : memref<5000xi32, #tpu.memory_space<vmem>> -> memref<40xi32, #tpu.memory_space<vmem>>
      %dma_start3A_87 = arith.constant 0 : i32
      %dma_start3A_88 = arith.constant 0 : i32
      %dma_start3A_89 = tpu.memref_slice %arg3[%dma_start3A_87, %dma_start3A_88] : memref<10000x128xf32, #tpu.memory_space<hbm>> -> memref<10000x128xf32, #tpu.memory_space<hbm>>
      tpu.enqueue_indirect_dma source(%dma_start3A_89 : memref<10000x128xf32, #tpu.memory_space<hbm>>) target(%dma_start3A_85 : memref<40x128xf32, #tpu.memory_space<vmem>>) offsets(%dma_start3A_86 : memref<40xi32, #tpu.memory_space<vmem>>) semaphore(%arg13 : memref<!tpu.dma_semaphore, #tpu.memory_space<semaphore_mem>>)
      %add3A_90 = arith.constant 160 : i32
      %add3A_91 = arith.addi %mul3A_10, %add3A_90 : i32
      %dma_start3A_92 = arith.constant 4 : i32
      %dma_start3A_93 = arith.constant 0 : i32
      %dma_start3A_94 = arith.constant 0 : i32
      %dma_start3A_95 = tpu.memref_slice %arg10[%dma_start3A_92, %dma_start3A_93, %dma_start3A_94] : memref<5x40x384xf32, #tpu.memory_space<vmem>> -> memref<1x40x384xf32, #tpu.memory_space<vmem>>
      %dma_start3A_96 = tpu.memref_squeeze %dma_start3A_95 : memref<1x40x384xf32, #tpu.memory_space<vmem>> -> memref<40x384xf32, #tpu.memory_space<vmem>>
      %dma_start3A_97 = tpu.memref_slice %arg8[%add3A_91] : memref<5000xi32, #tpu.memory_space<vmem>> -> memref<40xi32, #tpu.memory_space<vmem>>
      %dma_start3A_98 = arith.constant 0 : i32
      %dma_start3A_99 = arith.constant 0 : i32
      %dma_start3A_100 = tpu.memref_slice %arg2[%dma_start3A_98, %dma_start3A_99] : memref<10000x384xf32, #tpu.memory_space<hbm>> -> memref<10000x384xf32, #tpu.memory_space<hbm>>
      tpu.enqueue_indirect_dma source(%dma_start3A_100 : memref<10000x384xf32, #tpu.memory_space<hbm>>) target(%dma_start3A_96 : memref<40x384xf32, #tpu.memory_space<vmem>>) offsets(%dma_start3A_97 : memref<40xi32, #tpu.memory_space<vmem>>) semaphore(%arg12 : memref<!tpu.dma_semaphore, #tpu.memory_space<semaphore_mem>>)
      %dma_start3A_101 = arith.constant 4 : i32
      %dma_start3A_102 = arith.constant 0 : i32
      %dma_start3A_103 = arith.constant 0 : i32
      %dma_start3A_104 = tpu.memref_slice %arg11[%dma_start3A_101, %dma_start3A_102, %dma_start3A_103] : memref<5x40x128xf32, #tpu.memory_space<vmem>> -> memref<1x40x128xf32, #tpu.memory_space<vmem>>
      %dma_start3A_105 = tpu.memref_squeeze %dma_start3A_104 : memref<1x40x128xf32, #tpu.memory_space<vmem>> -> memref<40x128xf32, #tpu.memory_space<vmem>>
      %dma_start3A_106 = tpu.memref_slice %arg9[%add3A_91] : memref<5000xi32, #tpu.memory_space<vmem>> -> memref<40xi32, #tpu.memory_space<vmem>>
      %dma_start3A_107 = arith.constant 0 : i32
      %dma_start3A_108 = arith.constant 0 : i32
      %dma_start3A_109 = tpu.memref_slice %arg3[%dma_start3A_107, %dma_start3A_108] : memref<10000x128xf32, #tpu.memory_space<hbm>> -> memref<10000x128xf32, #tpu.memory_space<hbm>>
      tpu.enqueue_indirect_dma source(%dma_start3A_109 : memref<10000x128xf32, #tpu.memory_space<hbm>>) target(%dma_start3A_105 : memref<40x128xf32, #tpu.memory_space<vmem>>) offsets(%dma_start3A_106 : memref<40xi32, #tpu.memory_space<vmem>>) semaphore(%arg13 : memref<!tpu.dma_semaphore, #tpu.memory_space<semaphore_mem>>)
      %dma_wait3A = arith.constant 0 : i32
      %dma_wait3A_110 = arith.constant 0 : i32
      %dma_wait3A_111 = arith.constant 0 : i32
      %dma_wait3A_112 = tpu.memref_slice %arg10[%dma_wait3A, %dma_wait3A_110, %dma_wait3A_111] : memref<5x40x384xf32, #tpu.memory_space<vmem>> -> memref<1x40x384xf32, #tpu.memory_space<vmem>>
      %dma_wait3A_113 = tpu.memref_squeeze %dma_wait3A_112 : memref<1x40x384xf32, #tpu.memory_space<vmem>> -> memref<40x384xf32, #tpu.memory_space<vmem>>
      %dma_wait3A_114 = tpu.memref_slice %arg8[%add3A_12] : memref<5000xi32, #tpu.memory_space<vmem>> -> memref<40xi32, #tpu.memory_space<vmem>>
      %dma_wait3A_115 = arith.constant 0 : i32
      %dma_wait3A_116 = arith.constant 0 : i32
      %dma_wait3A_117 = tpu.memref_slice %arg2[%dma_wait3A_115, %dma_wait3A_116] : memref<10000x384xf32, #tpu.memory_space<hbm>> -> memref<10000x384xf32, #tpu.memory_space<hbm>>
      tpu.wait_indirect_dma semaphore(%arg12 : memref<!tpu.dma_semaphore, #tpu.memory_space<semaphore_mem>>) src(%dma_wait3A_117 : memref<10000x384xf32, #tpu.memory_space<hbm>>) dst(%dma_wait3A_113 : memref<40x384xf32, #tpu.memory_space<vmem>>)
      %dma_wait3A_118 = arith.constant 0 : i32
      %dma_wait3A_119 = arith.constant 0 : i32
      %dma_wait3A_120 = arith.constant 0 : i32
      %dma_wait3A_121 = tpu.memref_slice %arg11[%dma_wait3A_118, %dma_wait3A_119, %dma_wait3A_120] : memref<5x40x128xf32, #tpu.memory_space<vmem>> -> memref<1x40x128xf32, #tpu.memory_space<vmem>>
      %dma_wait3A_122 = tpu.memref_squeeze %dma_wait3A_121 : memref<1x40x128xf32, #tpu.memory_space<vmem>> -> memref<40x128xf32, #tpu.memory_space<vmem>>
      %dma_wait3A_123 = tpu.memref_slice %arg9[%add3A_12] : memref<5000xi32, #tpu.memory_space<vmem>> -> memref<40xi32, #tpu.memory_space<vmem>>
      %dma_wait3A_124 = arith.constant 0 : i32
      %dma_wait3A_125 = arith.constant 0 : i32
      %dma_wait3A_126 = tpu.memref_slice %arg3[%dma_wait3A_124, %dma_wait3A_125] : memref<10000x128xf32, #tpu.memory_space<hbm>> -> memref<10000x128xf32, #tpu.memory_space<hbm>>
      tpu.wait_indirect_dma semaphore(%arg13 : memref<!tpu.dma_semaphore, #tpu.memory_space<semaphore_mem>>) src(%dma_wait3A_126 : memref<10000x128xf32, #tpu.memory_space<hbm>>) dst(%dma_wait3A_122 : memref<40x128xf32, #tpu.memory_space<vmem>>)
      %dma_wait3A_127 = arith.constant 1 : i32
      %dma_wait3A_128 = arith.constant 0 : i32
      %dma_wait3A_129 = arith.constant 0 : i32
      %dma_wait3A_130 = tpu.memref_slice %arg10[%dma_wait3A_127, %dma_wait3A_128, %dma_wait3A_129] : memref<5x40x384xf32, #tpu.memory_space<vmem>> -> memref<1x40x384xf32, #tpu.memory_space<vmem>>
      %dma_wait3A_131 = tpu.memref_squeeze %dma_wait3A_130 : memref<1x40x384xf32, #tpu.memory_space<vmem>> -> memref<40x384xf32, #tpu.memory_space<vmem>>
      %dma_wait3A_132 = tpu.memref_slice %arg8[%add3A_31] : memref<5000xi32, #tpu.memory_space<vmem>> -> memref<40xi32, #tpu.memory_space<vmem>>
      %dma_wait3A_133 = arith.constant 0 : i32
      %dma_wait3A_134 = arith.constant 0 : i32
      %dma_wait3A_135 = tpu.memref_slice %arg2[%dma_wait3A_133, %dma_wait3A_134] : memref<10000x384xf32, #tpu.memory_space<hbm>> -> memref<10000x384xf32, #tpu.memory_space<hbm>>
      tpu.wait_indirect_dma semaphore(%arg12 : memref<!tpu.dma_semaphore, #tpu.memory_space<semaphore_mem>>) src(%dma_wait3A_135 : memref<10000x384xf32, #tpu.memory_space<hbm>>) dst(%dma_wait3A_131 : memref<40x384xf32, #tpu.memory_space<vmem>>)
      %dma_wait3A_136 = arith.constant 1 : i32
      %dma_wait3A_137 = arith.constant 0 : i32
      %dma_wait3A_138 = arith.constant 0 : i32
      %dma_wait3A_139 = tpu.memref_slice %arg11[%dma_wait3A_136, %dma_wait3A_137, %dma_wait3A_138] : memref<5x40x128xf32, #tpu.memory_space<vmem>> -> memref<1x40x128xf32, #tpu.memory_space<vmem>>
      %dma_wait3A_140 = tpu.memref_squeeze %dma_wait3A_139 : memref<1x40x128xf32, #tpu.memory_space<vmem>> -> memref<40x128xf32, #tpu.memory_space<vmem>>
      %dma_wait3A_141 = tpu.memref_slice %arg9[%add3A_31] : memref<5000xi32, #tpu.memory_space<vmem>> -> memref<40xi32, #tpu.memory_space<vmem>>
      %dma_wait3A_142 = arith.constant 0 : i32
      %dma_wait3A_143 = arith.constant 0 : i32
      %dma_wait3A_144 = tpu.memref_slice %arg3[%dma_wait3A_142, %dma_wait3A_143] : memref<10000x128xf32, #tpu.memory_space<hbm>> -> memref<10000x128xf32, #tpu.memory_space<hbm>>
      tpu.wait_indirect_dma semaphore(%arg13 : memref<!tpu.dma_semaphore, #tpu.memory_space<semaphore_mem>>) src(%dma_wait3A_144 : memref<10000x128xf32, #tpu.memory_space<hbm>>) dst(%dma_wait3A_140 : memref<40x128xf32, #tpu.memory_space<vmem>>)
      %dma_wait3A_145 = arith.constant 2 : i32
      %dma_wait3A_146 = arith.constant 0 : i32
      %dma_wait3A_147 = arith.constant 0 : i32
      %dma_wait3A_148 = tpu.memref_slice %arg10[%dma_wait3A_145, %dma_wait3A_146, %dma_wait3A_147] : memref<5x40x384xf32, #tpu.memory_space<vmem>> -> memref<1x40x384xf32, #tpu.memory_space<vmem>>
      %dma_wait3A_149 = tpu.memref_squeeze %dma_wait3A_148 : memref<1x40x384xf32, #tpu.memory_space<vmem>> -> memref<40x384xf32, #tpu.memory_space<vmem>>
      %dma_wait3A_150 = tpu.memref_slice %arg8[%add3A_51] : memref<5000xi32, #tpu.memory_space<vmem>> -> memref<40xi32, #tpu.memory_space<vmem>>
      %dma_wait3A_151 = arith.constant 0 : i32
      %dma_wait3A_152 = arith.constant 0 : i32
      %dma_wait3A_153 = tpu.memref_slice %arg2[%dma_wait3A_151, %dma_wait3A_152] : memref<10000x384xf32, #tpu.memory_space<hbm>> -> memref<10000x384xf32, #tpu.memory_space<hbm>>
      tpu.wait_indirect_dma semaphore(%arg12 : memref<!tpu.dma_semaphore, #tpu.memory_space<semaphore_mem>>) src(%dma_wait3A_153 : memref<10000x384xf32, #tpu.memory_space<hbm>>) dst(%dma_wait3A_149 : memref<40x384xf32, #tpu.memory_space<vmem>>)
      %dma_wait3A_154 = arith.constant 2 : i32
      %dma_wait3A_155 = arith.constant 0 : i32
      %dma_wait3A_156 = arith.constant 0 : i32
      %dma_wait3A_157 = tpu.memref_slice %arg11[%dma_wait3A_154, %dma_wait3A_155, %dma_wait3A_156] : memref<5x40x128xf32, #tpu.memory_space<vmem>> -> memref<1x40x128xf32, #tpu.memory_space<vmem>>
      %dma_wait3A_158 = tpu.memref_squeeze %dma_wait3A_157 : memref<1x40x128xf32, #tpu.memory_space<vmem>> -> memref<40x128xf32, #tpu.memory_space<vmem>>
      %dma_wait3A_159 = tpu.memref_slice %arg9[%add3A_51] : memref<5000xi32, #tpu.memory_space<vmem>> -> memref<40xi32, #tpu.memory_space<vmem>>
      %dma_wait3A_160 = arith.constant 0 : i32
      %dma_wait3A_161 = arith.constant 0 : i32
      %dma_wait3A_162 = tpu.memref_slice %arg3[%dma_wait3A_160, %dma_wait3A_161] : memref<10000x128xf32, #tpu.memory_space<hbm>> -> memref<10000x128xf32, #tpu.memory_space<hbm>>
      tpu.wait_indirect_dma semaphore(%arg13 : memref<!tpu.dma_semaphore, #tpu.memory_space<semaphore_mem>>) src(%dma_wait3A_162 : memref<10000x128xf32, #tpu.memory_space<hbm>>) dst(%dma_wait3A_158 : memref<40x128xf32, #tpu.memory_space<vmem>>)
      %dma_wait3A_163 = arith.constant 3 : i32
      %dma_wait3A_164 = arith.constant 0 : i32
      %dma_wait3A_165 = arith.constant 0 : i32
      %dma_wait3A_166 = tpu.memref_slice %arg10[%dma_wait3A_163, %dma_wait3A_164, %dma_wait3A_165] : memref<5x40x384xf32, #tpu.memory_space<vmem>> -> memref<1x40x384xf32, #tpu.memory_space<vmem>>
      %dma_wait3A_167 = tpu.memref_squeeze %dma_wait3A_166 : memref<1x40x384xf32, #tpu.memory_space<vmem>> -> memref<40x384xf32, #tpu.memory_space<vmem>>
      %dma_wait3A_168 = tpu.memref_slice %arg8[%add3A_71] : memref<5000xi32, #tpu.memory_space<vmem>> -> memref<40xi32, #tpu.memory_space<vmem>>
      %dma_wait3A_169 = arith.constant 0 : i32
      %dma_wait3A_170 = arith.constant 0 : i32
      %dma_wait3A_171 = tpu.memref_slice %arg2[%dma_wait3A_169, %dma_wait3A_170] : memref<10000x384xf32, #tpu.memory_space<hbm>> -> memref<10000x384xf32, #tpu.memory_space<hbm>>
      tpu.wait_indirect_dma semaphore(%arg12 : memref<!tpu.dma_semaphore, #tpu.memory_space<semaphore_mem>>) src(%dma_wait3A_171 : memref<10000x384xf32, #tpu.memory_space<hbm>>) dst(%dma_wait3A_167 : memref<40x384xf32, #tpu.memory_space<vmem>>)
      %dma_wait3A_172 = arith.constant 3 : i32
      %dma_wait3A_173 = arith.constant 0 : i32
      %dma_wait3A_174 = arith.constant 0 : i32
      %dma_wait3A_175 = tpu.memref_slice %arg11[%dma_wait3A_172, %dma_wait3A_173, %dma_wait3A_174] : memref<5x40x128xf32, #tpu.memory_space<vmem>> -> memref<1x40x128xf32, #tpu.memory_space<vmem>>
      %dma_wait3A_176 = tpu.memref_squeeze %dma_wait3A_175 : memref<1x40x128xf32, #tpu.memory_space<vmem>> -> memref<40x128xf32, #tpu.memory_space<vmem>>
      %dma_wait3A_177 = tpu.memref_slice %arg9[%add3A_71] : memref<5000xi32, #tpu.memory_space<vmem>> -> memref<40xi32, #tpu.memory_space<vmem>>
      %dma_wait3A_178 = arith.constant 0 : i32
      %dma_wait3A_179 = arith.constant 0 : i32
      %dma_wait3A_180 = tpu.memref_slice %arg3[%dma_wait3A_178, %dma_wait3A_179] : memref<10000x128xf32, #tpu.memory_space<hbm>> -> memref<10000x128xf32, #tpu.memory_space<hbm>>
      tpu.wait_indirect_dma semaphore(%arg13 : memref<!tpu.dma_semaphore, #tpu.memory_space<semaphore_mem>>) src(%dma_wait3A_180 : memref<10000x128xf32, #tpu.memory_space<hbm>>) dst(%dma_wait3A_176 : memref<40x128xf32, #tpu.memory_space<vmem>>)
      %dma_wait3A_181 = arith.constant 4 : i32
      %dma_wait3A_182 = arith.constant 0 : i32
      %dma_wait3A_183 = arith.constant 0 : i32
      %dma_wait3A_184 = tpu.memref_slice %arg10[%dma_wait3A_181, %dma_wait3A_182, %dma_wait3A_183] : memref<5x40x384xf32, #tpu.memory_space<vmem>> -> memref<1x40x384xf32, #tpu.memory_space<vmem>>
      %dma_wait3A_185 = tpu.memref_squeeze %dma_wait3A_184 : memref<1x40x384xf32, #tpu.memory_space<vmem>> -> memref<40x384xf32, #tpu.memory_space<vmem>>
      %dma_wait3A_186 = tpu.memref_slice %arg8[%add3A_91] : memref<5000xi32, #tpu.memory_space<vmem>> -> memref<40xi32, #tpu.memory_space<vmem>>
      %dma_wait3A_187 = arith.constant 0 : i32
      %dma_wait3A_188 = arith.constant 0 : i32
      %dma_wait3A_189 = tpu.memref_slice %arg2[%dma_wait3A_187, %dma_wait3A_188] : memref<10000x384xf32, #tpu.memory_space<hbm>> -> memref<10000x384xf32, #tpu.memory_space<hbm>>
      tpu.wait_indirect_dma semaphore(%arg12 : memref<!tpu.dma_semaphore, #tpu.memory_space<semaphore_mem>>) src(%dma_wait3A_189 : memref<10000x384xf32, #tpu.memory_space<hbm>>) dst(%dma_wait3A_185 : memref<40x384xf32, #tpu.memory_space<vmem>>)
      %dma_wait3A_190 = arith.constant 4 : i32
      %dma_wait3A_191 = arith.constant 0 : i32
      %dma_wait3A_192 = arith.constant 0 : i32
      %dma_wait3A_193 = tpu.memref_slice %arg11[%dma_wait3A_190, %dma_wait3A_191, %dma_wait3A_192] : memref<5x40x128xf32, #tpu.memory_space<vmem>> -> memref<1x40x128xf32, #tpu.memory_space<vmem>>
      %dma_wait3A_194 = tpu.memref_squeeze %dma_wait3A_193 : memref<1x40x128xf32, #tpu.memory_space<vmem>> -> memref<40x128xf32, #tpu.memory_space<vmem>>
      %dma_wait3A_195 = tpu.memref_slice %arg9[%add3A_91] : memref<5000xi32, #tpu.memory_space<vmem>> -> memref<40xi32, #tpu.memory_space<vmem>>
      %dma_wait3A_196 = arith.constant 0 : i32
      %dma_wait3A_197 = arith.constant 0 : i32
      %dma_wait3A_198 = tpu.memref_slice %arg3[%dma_wait3A_196, %dma_wait3A_197] : memref<10000x128xf32, #tpu.memory_space<hbm>> -> memref<10000x128xf32, #tpu.memory_space<hbm>>
      tpu.wait_indirect_dma semaphore(%arg13 : memref<!tpu.dma_semaphore, #tpu.memory_space<semaphore_mem>>) src(%dma_wait3A_198 : memref<10000x128xf32, #tpu.memory_space<hbm>>) dst(%dma_wait3A_194 : memref<40x128xf32, #tpu.memory_space<vmem>>)
      %add3A_199 = arith.constant 0 : i32
      %add3A_200 = arith.addi %mul3A_10, %add3A_199 : i32
      %add3A_201 = arith.addi %mul3A_2, %add3A_200 : i32
      %run_scoped3A = arith.constant 0 : i32
      "tpu.region"() ({
        %run_scoped3A_228 = tpu.sem_alloc : memref<!tpu.dma_semaphore, #tpu.memory_space<semaphore_mem>>
        %dma_start3A_229 = arith.constant 0 : i32
        %dma_start3A_230 = arith.constant 0 : i32
        %dma_start3A_231 = tpu.memref_slice %arg10[%run_scoped3A, %dma_start3A_229, %dma_start3A_230] : memref<5x40x384xf32, #tpu.memory_space<vmem>> -> memref<1x40x384xf32, #tpu.memory_space<vmem>>
        %dma_start3A_232 = tpu.memref_squeeze %dma_start3A_231 : memref<1x40x384xf32, #tpu.memory_space<vmem>> -> memref<40x384xf32, #tpu.memory_space<vmem>>
        %dma_start3A_233 = arith.constant 0 : i32
        %dma_start3A_234 = tpu.memref_slice %arg6[%add3A_201, %dma_start3A_233] : memref<160000x384xf32, #tpu.memory_space<hbm>> -> memref<40x384xf32, #tpu.memory_space<hbm>>
        %dma_start3A_235 = arith.constant 0 : i32
        %dma_start3A_236 = tpu.memref_slice %arg6[%add3A_201, %dma_start3A_235] : memref<160000x384xf32, #tpu.memory_space<hbm>> -> memref<40x384xf32, #tpu.memory_space<hbm>>
        %dma_start3A_237 = arith.constant 0 : i32
        %dma_start3A_238 = arith.constant 0 : i32
        %dma_start3A_239 = tpu.memref_slice %arg10[%run_scoped3A, %dma_start3A_237, %dma_start3A_238] : memref<5x40x384xf32, #tpu.memory_space<vmem>> -> memref<1x40x384xf32, #tpu.memory_space<vmem>>
        %dma_start3A_240 = tpu.memref_squeeze %dma_start3A_239 : memref<1x40x384xf32, #tpu.memory_space<vmem>> -> memref<40x384xf32, #tpu.memory_space<vmem>>
        tpu.enqueue_dma source(%dma_start3A_240 : memref<40x384xf32, #tpu.memory_space<vmem>>) target(%dma_start3A_236 : memref<40x384xf32, #tpu.memory_space<hbm>>) target_semaphore(%run_scoped3A_228 : memref<!tpu.dma_semaphore, #tpu.memory_space<semaphore_mem>>)
        %dma_wait3A_241 = arith.constant 0 : i32
        %dma_wait3A_242 = arith.constant 0 : i32
        %dma_wait3A_243 = tpu.memref_slice %arg10[%run_scoped3A, %dma_wait3A_241, %dma_wait3A_242] : memref<5x40x384xf32, #tpu.memory_space<vmem>> -> memref<1x40x384xf32, #tpu.memory_space<vmem>>
        %dma_wait3A_244 = tpu.memref_squeeze %dma_wait3A_243 : memref<1x40x384xf32, #tpu.memory_space<vmem>> -> memref<40x384xf32, #tpu.memory_space<vmem>>
        %dma_wait3A_245 = arith.constant 0 : i32
        %dma_wait3A_246 = tpu.memref_slice %arg6[%add3A_201, %dma_wait3A_245] : memref<160000x384xf32, #tpu.memory_space<hbm>> -> memref<40x384xf32, #tpu.memory_space<hbm>>
        %dma_wait3A_247 = arith.constant 0 : i32
        %dma_wait3A_248 = tpu.memref_slice %arg6[%add3A_201, %dma_wait3A_247] : memref<160000x384xf32, #tpu.memory_space<hbm>> -> memref<40x384xf32, #tpu.memory_space<hbm>>
        %dma_wait3A_249 = arith.constant 0 : i32
        %dma_wait3A_250 = arith.constant 0 : i32
        %dma_wait3A_251 = tpu.memref_slice %arg10[%run_scoped3A, %dma_wait3A_249, %dma_wait3A_250] : memref<5x40x384xf32, #tpu.memory_space<vmem>> -> memref<1x40x384xf32, #tpu.memory_space<vmem>>
        %dma_wait3A_252 = tpu.memref_squeeze %dma_wait3A_251 : memref<1x40x384xf32, #tpu.memory_space<vmem>> -> memref<40x384xf32, #tpu.memory_space<vmem>>
        tpu.wait_dma2 semaphore(%run_scoped3A_228 : memref<!tpu.dma_semaphore, #tpu.memory_space<semaphore_mem>>) src(%dma_wait3A_252 : memref<40x384xf32, #tpu.memory_space<vmem>>) dst(%dma_wait3A_248 : memref<40x384xf32, #tpu.memory_space<hbm>>)
        tpu.yield
      }) : () -> ()
      %add3A_202 = arith.addi %mul3A_2, %add3A_200 : i32
      %run_scoped3A_203 = arith.constant 0 : i32
      "tpu.region"() ({
        %run_scoped3A_228 = tpu.sem_alloc : memref<!tpu.dma_semaphore, #tpu.memory_space<semaphore_mem>>
        %dma_start3A_229 = arith.constant 0 : i32
        %dma_start3A_230 = arith.constant 0 : i32
        %dma_start3A_231 = tpu.memref_slice %arg11[%run_scoped3A_203, %dma_start3A_229, %dma_start3A_230] : memref<5x40x128xf32, #tpu.memory_space<vmem>> -> memref<1x40x128xf32, #tpu.memory_space<vmem>>
        %dma_start3A_232 = tpu.memref_squeeze %dma_start3A_231 : memref<1x40x128xf32, #tpu.memory_space<vmem>> -> memref<40x128xf32, #tpu.memory_space<vmem>>
        %dma_start3A_233 = arith.constant 0 : i32
        %dma_start3A_234 = tpu.memref_slice %arg7[%add3A_202, %dma_start3A_233] : memref<160000x128xf32, #tpu.memory_space<hbm>> -> memref<40x128xf32, #tpu.memory_space<hbm>>
        %dma_start3A_235 = arith.constant 0 : i32
        %dma_start3A_236 = tpu.memref_slice %arg7[%add3A_202, %dma_start3A_235] : memref<160000x128xf32, #tpu.memory_space<hbm>> -> memref<40x128xf32, #tpu.memory_space<hbm>>
        %dma_start3A_237 = arith.constant 0 : i32
        %dma_start3A_238 = arith.constant 0 : i32
        %dma_start3A_239 = tpu.memref_slice %arg11[%run_scoped3A_203, %dma_start3A_237, %dma_start3A_238] : memref<5x40x128xf32, #tpu.memory_space<vmem>> -> memref<1x40x128xf32, #tpu.memory_space<vmem>>
        %dma_start3A_240 = tpu.memref_squeeze %dma_start3A_239 : memref<1x40x128xf32, #tpu.memory_space<vmem>> -> memref<40x128xf32, #tpu.memory_space<vmem>>
        tpu.enqueue_dma source(%dma_start3A_240 : memref<40x128xf32, #tpu.memory_space<vmem>>) target(%dma_start3A_236 : memref<40x128xf32, #tpu.memory_space<hbm>>) target_semaphore(%run_scoped3A_228 : memref<!tpu.dma_semaphore, #tpu.memory_space<semaphore_mem>>)
        %dma_wait3A_241 = arith.constant 0 : i32
        %dma_wait3A_242 = arith.constant 0 : i32
        %dma_wait3A_243 = tpu.memref_slice %arg11[%run_scoped3A_203, %dma_wait3A_241, %dma_wait3A_242] : memref<5x40x128xf32, #tpu.memory_space<vmem>> -> memref<1x40x128xf32, #tpu.memory_space<vmem>>
        %dma_wait3A_244 = tpu.memref_squeeze %dma_wait3A_243 : memref<1x40x128xf32, #tpu.memory_space<vmem>> -> memref<40x128xf32, #tpu.memory_space<vmem>>
        %dma_wait3A_245 = arith.constant 0 : i32
        %dma_wait3A_246 = tpu.memref_slice %arg7[%add3A_202, %dma_wait3A_245] : memref<160000x128xf32, #tpu.memory_space<hbm>> -> memref<40x128xf32, #tpu.memory_space<hbm>>
        %dma_wait3A_247 = arith.constant 0 : i32
        %dma_wait3A_248 = tpu.memref_slice %arg7[%add3A_202, %dma_wait3A_247] : memref<160000x128xf32, #tpu.memory_space<hbm>> -> memref<40x128xf32, #tpu.memory_space<hbm>>
        %dma_wait3A_249 = arith.constant 0 : i32
        %dma_wait3A_250 = arith.constant 0 : i32
        %dma_wait3A_251 = tpu.memref_slice %arg11[%run_scoped3A_203, %dma_wait3A_249, %dma_wait3A_250] : memref<5x40x128xf32, #tpu.memory_space<vmem>> -> memref<1x40x128xf32, #tpu.memory_space<vmem>>
        %dma_wait3A_252 = tpu.memref_squeeze %dma_wait3A_251 : memref<1x40x128xf32, #tpu.memory_space<vmem>> -> memref<40x128xf32, #tpu.memory_space<vmem>>
        tpu.wait_dma2 semaphore(%run_scoped3A_228 : memref<!tpu.dma_semaphore, #tpu.memory_space<semaphore_mem>>) src(%dma_wait3A_252 : memref<40x128xf32, #tpu.memory_space<vmem>>) dst(%dma_wait3A_248 : memref<40x128xf32, #tpu.memory_space<hbm>>)
        tpu.yield
      }) : () -> ()
      %add3A_204 = arith.constant 40 : i32
      %add3A_205 = arith.addi %mul3A_10, %add3A_204 : i32
      %add3A_206 = arith.addi %mul3A_2, %add3A_205 : i32
      %run_scoped3A_207 = arith.constant 1 : i32
      "tpu.region"() ({
        %run_scoped3A_228 = tpu.sem_alloc : memref<!tpu.dma_semaphore, #tpu.memory_space<semaphore_mem>>
        %dma_start3A_229 = arith.constant 0 : i32
        %dma_start3A_230 = arith.constant 0 : i32
        %dma_start3A_231 = tpu.memref_slice %arg10[%run_scoped3A_207, %dma_start3A_229, %dma_start3A_230] : memref<5x40x384xf32, #tpu.memory_space<vmem>> -> memref<1x40x384xf32, #tpu.memory_space<vmem>>
        %dma_start3A_232 = tpu.memref_squeeze %dma_start3A_231 : memref<1x40x384xf32, #tpu.memory_space<vmem>> -> memref<40x384xf32, #tpu.memory_space<vmem>>
        %dma_start3A_233 = arith.constant 0 : i32
        %dma_start3A_234 = tpu.memref_slice %arg6[%add3A_206, %dma_start3A_233] : memref<160000x384xf32, #tpu.memory_space<hbm>> -> memref<40x384xf32, #tpu.memory_space<hbm>>
        %dma_start3A_235 = arith.constant 0 : i32
        %dma_start3A_236 = tpu.memref_slice %arg6[%add3A_206, %dma_start3A_235] : memref<160000x384xf32, #tpu.memory_space<hbm>> -> memref<40x384xf32, #tpu.memory_space<hbm>>
        %dma_start3A_237 = arith.constant 0 : i32
        %dma_start3A_238 = arith.constant 0 : i32
        %dma_start3A_239 = tpu.memref_slice %arg10[%run_scoped3A_207, %dma_start3A_237, %dma_start3A_238] : memref<5x40x384xf32, #tpu.memory_space<vmem>> -> memref<1x40x384xf32, #tpu.memory_space<vmem>>
        %dma_start3A_240 = tpu.memref_squeeze %dma_start3A_239 : memref<1x40x384xf32, #tpu.memory_space<vmem>> -> memref<40x384xf32, #tpu.memory_space<vmem>>
        tpu.enqueue_dma source(%dma_start3A_240 : memref<40x384xf32, #tpu.memory_space<vmem>>) target(%dma_start3A_236 : memref<40x384xf32, #tpu.memory_space<hbm>>) target_semaphore(%run_scoped3A_228 : memref<!tpu.dma_semaphore, #tpu.memory_space<semaphore_mem>>)
        %dma_wait3A_241 = arith.constant 0 : i32
        %dma_wait3A_242 = arith.constant 0 : i32
        %dma_wait3A_243 = tpu.memref_slice %arg10[%run_scoped3A_207, %dma_wait3A_241, %dma_wait3A_242] : memref<5x40x384xf32, #tpu.memory_space<vmem>> -> memref<1x40x384xf32, #tpu.memory_space<vmem>>
        %dma_wait3A_244 = tpu.memref_squeeze %dma_wait3A_243 : memref<1x40x384xf32, #tpu.memory_space<vmem>> -> memref<40x384xf32, #tpu.memory_space<vmem>>
        %dma_wait3A_245 = arith.constant 0 : i32
        %dma_wait3A_246 = tpu.memref_slice %arg6[%add3A_206, %dma_wait3A_245] : memref<160000x384xf32, #tpu.memory_space<hbm>> -> memref<40x384xf32, #tpu.memory_space<hbm>>
        %dma_wait3A_247 = arith.constant 0 : i32
        %dma_wait3A_248 = tpu.memref_slice %arg6[%add3A_206, %dma_wait3A_247] : memref<160000x384xf32, #tpu.memory_space<hbm>> -> memref<40x384xf32, #tpu.memory_space<hbm>>
        %dma_wait3A_249 = arith.constant 0 : i32
        %dma_wait3A_250 = arith.constant 0 : i32
        %dma_wait3A_251 = tpu.memref_slice %arg10[%run_scoped3A_207, %dma_wait3A_249, %dma_wait3A_250] : memref<5x40x384xf32, #tpu.memory_space<vmem>> -> memref<1x40x384xf32, #tpu.memory_space<vmem>>
        %dma_wait3A_252 = tpu.memref_squeeze %dma_wait3A_251 : memref<1x40x384xf32, #tpu.memory_space<vmem>> -> memref<40x384xf32, #tpu.memory_space<vmem>>
        tpu.wait_dma2 semaphore(%run_scoped3A_228 : memref<!tpu.dma_semaphore, #tpu.memory_space<semaphore_mem>>) src(%dma_wait3A_252 : memref<40x384xf32, #tpu.memory_space<vmem>>) dst(%dma_wait3A_248 : memref<40x384xf32, #tpu.memory_space<hbm>>)
        tpu.yield
      }) : () -> ()
      %add3A_208 = arith.addi %mul3A_2, %add3A_205 : i32
      %run_scoped3A_209 = arith.constant 1 : i32
      "tpu.region"() ({
        %run_scoped3A_228 = tpu.sem_alloc : memref<!tpu.dma_semaphore, #tpu.memory_space<semaphore_mem>>
        %dma_start3A_229 = arith.constant 0 : i32
        %dma_start3A_230 = arith.constant 0 : i32
        %dma_start3A_231 = tpu.memref_slice %arg11[%run_scoped3A_209, %dma_start3A_229, %dma_start3A_230] : memref<5x40x128xf32, #tpu.memory_space<vmem>> -> memref<1x40x128xf32, #tpu.memory_space<vmem>>
        %dma_start3A_232 = tpu.memref_squeeze %dma_start3A_231 : memref<1x40x128xf32, #tpu.memory_space<vmem>> -> memref<40x128xf32, #tpu.memory_space<vmem>>
        %dma_start3A_233 = arith.constant 0 : i32
        %dma_start3A_234 = tpu.memref_slice %arg7[%add3A_208, %dma_start3A_233] : memref<160000x128xf32, #tpu.memory_space<hbm>> -> memref<40x128xf32, #tpu.memory_space<hbm>>
        %dma_start3A_235 = arith.constant 0 : i32
        %dma_start3A_236 = tpu.memref_slice %arg7[%add3A_208, %dma_start3A_235] : memref<160000x128xf32, #tpu.memory_space<hbm>> -> memref<40x128xf32, #tpu.memory_space<hbm>>
        %dma_start3A_237 = arith.constant 0 : i32
        %dma_start3A_238 = arith.constant 0 : i32
        %dma_start3A_239 = tpu.memref_slice %arg11[%run_scoped3A_209, %dma_start3A_237, %dma_start3A_238] : memref<5x40x128xf32, #tpu.memory_space<vmem>> -> memref<1x40x128xf32, #tpu.memory_space<vmem>>
        %dma_start3A_240 = tpu.memref_squeeze %dma_start3A_239 : memref<1x40x128xf32, #tpu.memory_space<vmem>> -> memref<40x128xf32, #tpu.memory_space<vmem>>
        tpu.enqueue_dma source(%dma_start3A_240 : memref<40x128xf32, #tpu.memory_space<vmem>>) target(%dma_start3A_236 : memref<40x128xf32, #tpu.memory_space<hbm>>) target_semaphore(%run_scoped3A_228 : memref<!tpu.dma_semaphore, #tpu.memory_space<semaphore_mem>>)
        %dma_wait3A_241 = arith.constant 0 : i32
        %dma_wait3A_242 = arith.constant 0 : i32
        %dma_wait3A_243 = tpu.memref_slice %arg11[%run_scoped3A_209, %dma_wait3A_241, %dma_wait3A_242] : memref<5x40x128xf32, #tpu.memory_space<vmem>> -> memref<1x40x128xf32, #tpu.memory_space<vmem>>
        %dma_wait3A_244 = tpu.memref_squeeze %dma_wait3A_243 : memref<1x40x128xf32, #tpu.memory_space<vmem>> -> memref<40x128xf32, #tpu.memory_space<vmem>>
        %dma_wait3A_245 = arith.constant 0 : i32
        %dma_wait3A_246 = tpu.memref_slice %arg7[%add3A_208, %dma_wait3A_245] : memref<160000x128xf32, #tpu.memory_space<hbm>> -> memref<40x128xf32, #tpu.memory_space<hbm>>
        %dma_wait3A_247 = arith.constant 0 : i32
        %dma_wait3A_248 = tpu.memref_slice %arg7[%add3A_208, %dma_wait3A_247] : memref<160000x128xf32, #tpu.memory_space<hbm>> -> memref<40x128xf32, #tpu.memory_space<hbm>>
        %dma_wait3A_249 = arith.constant 0 : i32
        %dma_wait3A_250 = arith.constant 0 : i32
        %dma_wait3A_251 = tpu.memref_slice %arg11[%run_scoped3A_209, %dma_wait3A_249, %dma_wait3A_250] : memref<5x40x128xf32, #tpu.memory_space<vmem>> -> memref<1x40x128xf32, #tpu.memory_space<vmem>>
        %dma_wait3A_252 = tpu.memref_squeeze %dma_wait3A_251 : memref<1x40x128xf32, #tpu.memory_space<vmem>> -> memref<40x128xf32, #tpu.memory_space<vmem>>
        tpu.wait_dma2 semaphore(%run_scoped3A_228 : memref<!tpu.dma_semaphore, #tpu.memory_space<semaphore_mem>>) src(%dma_wait3A_252 : memref<40x128xf32, #tpu.memory_space<vmem>>) dst(%dma_wait3A_248 : memref<40x128xf32, #tpu.memory_space<hbm>>)
        tpu.yield
      }) : () -> ()
      %add3A_210 = arith.constant 80 : i32
      %add3A_211 = arith.addi %mul3A_10, %add3A_210 : i32
      %add3A_212 = arith.addi %mul3A_2, %add3A_211 : i32
      %run_scoped3A_213 = arith.constant 2 : i32
      "tpu.region"() ({
        %run_scoped3A_228 = tpu.sem_alloc : memref<!tpu.dma_semaphore, #tpu.memory_space<semaphore_mem>>
        %dma_start3A_229 = arith.constant 0 : i32
        %dma_start3A_230 = arith.constant 0 : i32
        %dma_start3A_231 = tpu.memref_slice %arg10[%run_scoped3A_213, %dma_start3A_229, %dma_start3A_230] : memref<5x40x384xf32, #tpu.memory_space<vmem>> -> memref<1x40x384xf32, #tpu.memory_space<vmem>>
        %dma_start3A_232 = tpu.memref_squeeze %dma_start3A_231 : memref<1x40x384xf32, #tpu.memory_space<vmem>> -> memref<40x384xf32, #tpu.memory_space<vmem>>
        %dma_start3A_233 = arith.constant 0 : i32
        %dma_start3A_234 = tpu.memref_slice %arg6[%add3A_212, %dma_start3A_233] : memref<160000x384xf32, #tpu.memory_space<hbm>> -> memref<40x384xf32, #tpu.memory_space<hbm>>
        %dma_start3A_235 = arith.constant 0 : i32
        %dma_start3A_236 = tpu.memref_slice %arg6[%add3A_212, %dma_start3A_235] : memref<160000x384xf32, #tpu.memory_space<hbm>> -> memref<40x384xf32, #tpu.memory_space<hbm>>
        %dma_start3A_237 = arith.constant 0 : i32
        %dma_start3A_238 = arith.constant 0 : i32
        %dma_start3A_239 = tpu.memref_slice %arg10[%run_scoped3A_213, %dma_start3A_237, %dma_start3A_238] : memref<5x40x384xf32, #tpu.memory_space<vmem>> -> memref<1x40x384xf32, #tpu.memory_space<vmem>>
        %dma_start3A_240 = tpu.memref_squeeze %dma_start3A_239 : memref<1x40x384xf32, #tpu.memory_space<vmem>> -> memref<40x384xf32, #tpu.memory_space<vmem>>
        tpu.enqueue_dma source(%dma_start3A_240 : memref<40x384xf32, #tpu.memory_space<vmem>>) target(%dma_start3A_236 : memref<40x384xf32, #tpu.memory_space<hbm>>) target_semaphore(%run_scoped3A_228 : memref<!tpu.dma_semaphore, #tpu.memory_space<semaphore_mem>>)
        %dma_wait3A_241 = arith.constant 0 : i32
        %dma_wait3A_242 = arith.constant 0 : i32
        %dma_wait3A_243 = tpu.memref_slice %arg10[%run_scoped3A_213, %dma_wait3A_241, %dma_wait3A_242] : memref<5x40x384xf32, #tpu.memory_space<vmem>> -> memref<1x40x384xf32, #tpu.memory_space<vmem>>
        %dma_wait3A_244 = tpu.memref_squeeze %dma_wait3A_243 : memref<1x40x384xf32, #tpu.memory_space<vmem>> -> memref<40x384xf32, #tpu.memory_space<vmem>>
        %dma_wait3A_245 = arith.constant 0 : i32
        %dma_wait3A_246 = tpu.memref_slice %arg6[%add3A_212, %dma_wait3A_245] : memref<160000x384xf32, #tpu.memory_space<hbm>> -> memref<40x384xf32, #tpu.memory_space<hbm>>
        %dma_wait3A_247 = arith.constant 0 : i32
        %dma_wait3A_248 = tpu.memref_slice %arg6[%add3A_212, %dma_wait3A_247] : memref<160000x384xf32, #tpu.memory_space<hbm>> -> memref<40x384xf32, #tpu.memory_space<hbm>>
        %dma_wait3A_249 = arith.constant 0 : i32
        %dma_wait3A_250 = arith.constant 0 : i32
        %dma_wait3A_251 = tpu.memref_slice %arg10[%run_scoped3A_213, %dma_wait3A_249, %dma_wait3A_250] : memref<5x40x384xf32, #tpu.memory_space<vmem>> -> memref<1x40x384xf32, #tpu.memory_space<vmem>>
        %dma_wait3A_252 = tpu.memref_squeeze %dma_wait3A_251 : memref<1x40x384xf32, #tpu.memory_space<vmem>> -> memref<40x384xf32, #tpu.memory_space<vmem>>
        tpu.wait_dma2 semaphore(%run_scoped3A_228 : memref<!tpu.dma_semaphore, #tpu.memory_space<semaphore_mem>>) src(%dma_wait3A_252 : memref<40x384xf32, #tpu.memory_space<vmem>>) dst(%dma_wait3A_248 : memref<40x384xf32, #tpu.memory_space<hbm>>)
        tpu.yield
      }) : () -> ()
      %add3A_214 = arith.addi %mul3A_2, %add3A_211 : i32
      %run_scoped3A_215 = arith.constant 2 : i32
      "tpu.region"() ({
        %run_scoped3A_228 = tpu.sem_alloc : memref<!tpu.dma_semaphore, #tpu.memory_space<semaphore_mem>>
        %dma_start3A_229 = arith.constant 0 : i32
        %dma_start3A_230 = arith.constant 0 : i32
        %dma_start3A_231 = tpu.memref_slice %arg11[%run_scoped3A_215, %dma_start3A_229, %dma_start3A_230] : memref<5x40x128xf32, #tpu.memory_space<vmem>> -> memref<1x40x128xf32, #tpu.memory_space<vmem>>
        %dma_start3A_232 = tpu.memref_squeeze %dma_start3A_231 : memref<1x40x128xf32, #tpu.memory_space<vmem>> -> memref<40x128xf32, #tpu.memory_space<vmem>>
        %dma_start3A_233 = arith.constant 0 : i32
        %dma_start3A_234 = tpu.memref_slice %arg7[%add3A_214, %dma_start3A_233] : memref<160000x128xf32, #tpu.memory_space<hbm>> -> memref<40x128xf32, #tpu.memory_space<hbm>>
        %dma_start3A_235 = arith.constant 0 : i32
        %dma_start3A_236 = tpu.memref_slice %arg7[%add3A_214, %dma_start3A_235] : memref<160000x128xf32, #tpu.memory_space<hbm>> -> memref<40x128xf32, #tpu.memory_space<hbm>>
        %dma_start3A_237 = arith.constant 0 : i32
        %dma_start3A_238 = arith.constant 0 : i32
        %dma_start3A_239 = tpu.memref_slice %arg11[%run_scoped3A_215, %dma_start3A_237, %dma_start3A_238] : memref<5x40x128xf32, #tpu.memory_space<vmem>> -> memref<1x40x128xf32, #tpu.memory_space<vmem>>
        %dma_start3A_240 = tpu.memref_squeeze %dma_start3A_239 : memref<1x40x128xf32, #tpu.memory_space<vmem>> -> memref<40x128xf32, #tpu.memory_space<vmem>>
        tpu.enqueue_dma source(%dma_start3A_240 : memref<40x128xf32, #tpu.memory_space<vmem>>) target(%dma_start3A_236 : memref<40x128xf32, #tpu.memory_space<hbm>>) target_semaphore(%run_scoped3A_228 : memref<!tpu.dma_semaphore, #tpu.memory_space<semaphore_mem>>)
        %dma_wait3A_241 = arith.constant 0 : i32
        %dma_wait3A_242 = arith.constant 0 : i32
        %dma_wait3A_243 = tpu.memref_slice %arg11[%run_scoped3A_215, %dma_wait3A_241, %dma_wait3A_242] : memref<5x40x128xf32, #tpu.memory_space<vmem>> -> memref<1x40x128xf32, #tpu.memory_space<vmem>>
        %dma_wait3A_244 = tpu.memref_squeeze %dma_wait3A_243 : memref<1x40x128xf32, #tpu.memory_space<vmem>> -> memref<40x128xf32, #tpu.memory_space<vmem>>
        %dma_wait3A_245 = arith.constant 0 : i32
        %dma_wait3A_246 = tpu.memref_slice %arg7[%add3A_214, %dma_wait3A_245] : memref<160000x128xf32, #tpu.memory_space<hbm>> -> memref<40x128xf32, #tpu.memory_space<hbm>>
        %dma_wait3A_247 = arith.constant 0 : i32
        %dma_wait3A_248 = tpu.memref_slice %arg7[%add3A_214, %dma_wait3A_247] : memref<160000x128xf32, #tpu.memory_space<hbm>> -> memref<40x128xf32, #tpu.memory_space<hbm>>
        %dma_wait3A_249 = arith.constant 0 : i32
        %dma_wait3A_250 = arith.constant 0 : i32
        %dma_wait3A_251 = tpu.memref_slice %arg11[%run_scoped3A_215, %dma_wait3A_249, %dma_wait3A_250] : memref<5x40x128xf32, #tpu.memory_space<vmem>> -> memref<1x40x128xf32, #tpu.memory_space<vmem>>
        %dma_wait3A_252 = tpu.memref_squeeze %dma_wait3A_251 : memref<1x40x128xf32, #tpu.memory_space<vmem>> -> memref<40x128xf32, #tpu.memory_space<vmem>>
        tpu.wait_dma2 semaphore(%run_scoped3A_228 : memref<!tpu.dma_semaphore, #tpu.memory_space<semaphore_mem>>) src(%dma_wait3A_252 : memref<40x128xf32, #tpu.memory_space<vmem>>) dst(%dma_wait3A_248 : memref<40x128xf32, #tpu.memory_space<hbm>>)
        tpu.yield
      }) : () -> ()
      %add3A_216 = arith.constant 120 : i32
      %add3A_217 = arith.addi %mul3A_10, %add3A_216 : i32
      %add3A_218 = arith.addi %mul3A_2, %add3A_217 : i32
      %run_scoped3A_219 = arith.constant 3 : i32
      "tpu.region"() ({
        %run_scoped3A_228 = tpu.sem_alloc : memref<!tpu.dma_semaphore, #tpu.memory_space<semaphore_mem>>
        %dma_start3A_229 = arith.constant 0 : i32
        %dma_start3A_230 = arith.constant 0 : i32
        %dma_start3A_231 = tpu.memref_slice %arg10[%run_scoped3A_219, %dma_start3A_229, %dma_start3A_230] : memref<5x40x384xf32, #tpu.memory_space<vmem>> -> memref<1x40x384xf32, #tpu.memory_space<vmem>>
        %dma_start3A_232 = tpu.memref_squeeze %dma_start3A_231 : memref<1x40x384xf32, #tpu.memory_space<vmem>> -> memref<40x384xf32, #tpu.memory_space<vmem>>
        %dma_start3A_233 = arith.constant 0 : i32
        %dma_start3A_234 = tpu.memref_slice %arg6[%add3A_218, %dma_start3A_233] : memref<160000x384xf32, #tpu.memory_space<hbm>> -> memref<40x384xf32, #tpu.memory_space<hbm>>
        %dma_start3A_235 = arith.constant 0 : i32
        %dma_start3A_236 = tpu.memref_slice %arg6[%add3A_218, %dma_start3A_235] : memref<160000x384xf32, #tpu.memory_space<hbm>> -> memref<40x384xf32, #tpu.memory_space<hbm>>
        %dma_start3A_237 = arith.constant 0 : i32
        %dma_start3A_238 = arith.constant 0 : i32
        %dma_start3A_239 = tpu.memref_slice %arg10[%run_scoped3A_219, %dma_start3A_237, %dma_start3A_238] : memref<5x40x384xf32, #tpu.memory_space<vmem>> -> memref<1x40x384xf32, #tpu.memory_space<vmem>>
        %dma_start3A_240 = tpu.memref_squeeze %dma_start3A_239 : memref<1x40x384xf32, #tpu.memory_space<vmem>> -> memref<40x384xf32, #tpu.memory_space<vmem>>
        tpu.enqueue_dma source(%dma_start3A_240 : memref<40x384xf32, #tpu.memory_space<vmem>>) target(%dma_start3A_236 : memref<40x384xf32, #tpu.memory_space<hbm>>) target_semaphore(%run_scoped3A_228 : memref<!tpu.dma_semaphore, #tpu.memory_space<semaphore_mem>>)
        %dma_wait3A_241 = arith.constant 0 : i32
        %dma_wait3A_242 = arith.constant 0 : i32
        %dma_wait3A_243 = tpu.memref_slice %arg10[%run_scoped3A_219, %dma_wait3A_241, %dma_wait3A_242] : memref<5x40x384xf32, #tpu.memory_space<vmem>> -> memref<1x40x384xf32, #tpu.memory_space<vmem>>
        %dma_wait3A_244 = tpu.memref_squeeze %dma_wait3A_243 : memref<1x40x384xf32, #tpu.memory_space<vmem>> -> memref<40x384xf32, #tpu.memory_space<vmem>>
        %dma_wait3A_245 = arith.constant 0 : i32
        %dma_wait3A_246 = tpu.memref_slice %arg6[%add3A_218, %dma_wait3A_245] : memref<160000x384xf32, #tpu.memory_space<hbm>> -> memref<40x384xf32, #tpu.memory_space<hbm>>
        %dma_wait3A_247 = arith.constant 0 : i32
        %dma_wait3A_248 = tpu.memref_slice %arg6[%add3A_218, %dma_wait3A_247] : memref<160000x384xf32, #tpu.memory_space<hbm>> -> memref<40x384xf32, #tpu.memory_space<hbm>>
        %dma_wait3A_249 = arith.constant 0 : i32
        %dma_wait3A_250 = arith.constant 0 : i32
        %dma_wait3A_251 = tpu.memref_slice %arg10[%run_scoped3A_219, %dma_wait3A_249, %dma_wait3A_250] : memref<5x40x384xf32, #tpu.memory_space<vmem>> -> memref<1x40x384xf32, #tpu.memory_space<vmem>>
        %dma_wait3A_252 = tpu.memref_squeeze %dma_wait3A_251 : memref<1x40x384xf32, #tpu.memory_space<vmem>> -> memref<40x384xf32, #tpu.memory_space<vmem>>
        tpu.wait_dma2 semaphore(%run_scoped3A_228 : memref<!tpu.dma_semaphore, #tpu.memory_space<semaphore_mem>>) src(%dma_wait3A_252 : memref<40x384xf32, #tpu.memory_space<vmem>>) dst(%dma_wait3A_248 : memref<40x384xf32, #tpu.memory_space<hbm>>)
        tpu.yield
      }) : () -> ()
      %add3A_220 = arith.addi %mul3A_2, %add3A_217 : i32
      %run_scoped3A_221 = arith.constant 3 : i32
      "tpu.region"() ({
        %run_scoped3A_228 = tpu.sem_alloc : memref<!tpu.dma_semaphore, #tpu.memory_space<semaphore_mem>>
        %dma_start3A_229 = arith.constant 0 : i32
        %dma_start3A_230 = arith.constant 0 : i32
        %dma_start3A_231 = tpu.memref_slice %arg11[%run_scoped3A_221, %dma_start3A_229, %dma_start3A_230] : memref<5x40x128xf32, #tpu.memory_space<vmem>> -> memref<1x40x128xf32, #tpu.memory_space<vmem>>
        %dma_start3A_232 = tpu.memref_squeeze %dma_start3A_231 : memref<1x40x128xf32, #tpu.memory_space<vmem>> -> memref<40x128xf32, #tpu.memory_space<vmem>>
        %dma_start3A_233 = arith.constant 0 : i32
        %dma_start3A_234 = tpu.memref_slice %arg7[%add3A_220, %dma_start3A_233] : memref<160000x128xf32, #tpu.memory_space<hbm>> -> memref<40x128xf32, #tpu.memory_space<hbm>>
        %dma_start3A_235 = arith.constant 0 : i32
        %dma_start3A_236 = tpu.memref_slice %arg7[%add3A_220, %dma_start3A_235] : memref<160000x128xf32, #tpu.memory_space<hbm>> -> memref<40x128xf32, #tpu.memory_space<hbm>>
        %dma_start3A_237 = arith.constant 0 : i32
        %dma_start3A_238 = arith.constant 0 : i32
        %dma_start3A_239 = tpu.memref_slice %arg11[%run_scoped3A_221, %dma_start3A_237, %dma_start3A_238] : memref<5x40x128xf32, #tpu.memory_space<vmem>> -> memref<1x40x128xf32, #tpu.memory_space<vmem>>
        %dma_start3A_240 = tpu.memref_squeeze %dma_start3A_239 : memref<1x40x128xf32, #tpu.memory_space<vmem>> -> memref<40x128xf32, #tpu.memory_space<vmem>>
        tpu.enqueue_dma source(%dma_start3A_240 : memref<40x128xf32, #tpu.memory_space<vmem>>) target(%dma_start3A_236 : memref<40x128xf32, #tpu.memory_space<hbm>>) target_semaphore(%run_scoped3A_228 : memref<!tpu.dma_semaphore, #tpu.memory_space<semaphore_mem>>)
        %dma_wait3A_241 = arith.constant 0 : i32
        %dma_wait3A_242 = arith.constant 0 : i32
        %dma_wait3A_243 = tpu.memref_slice %arg11[%run_scoped3A_221, %dma_wait3A_241, %dma_wait3A_242] : memref<5x40x128xf32, #tpu.memory_space<vmem>> -> memref<1x40x128xf32, #tpu.memory_space<vmem>>
        %dma_wait3A_244 = tpu.memref_squeeze %dma_wait3A_243 : memref<1x40x128xf32, #tpu.memory_space<vmem>> -> memref<40x128xf32, #tpu.memory_space<vmem>>
        %dma_wait3A_245 = arith.constant 0 : i32
        %dma_wait3A_246 = tpu.memref_slice %arg7[%add3A_220, %dma_wait3A_245] : memref<160000x128xf32, #tpu.memory_space<hbm>> -> memref<40x128xf32, #tpu.memory_space<hbm>>
        %dma_wait3A_247 = arith.constant 0 : i32
        %dma_wait3A_248 = tpu.memref_slice %arg7[%add3A_220, %dma_wait3A_247] : memref<160000x128xf32, #tpu.memory_space<hbm>> -> memref<40x128xf32, #tpu.memory_space<hbm>>
        %dma_wait3A_249 = arith.constant 0 : i32
        %dma_wait3A_250 = arith.constant 0 : i32
        %dma_wait3A_251 = tpu.memref_slice %arg11[%run_scoped3A_221, %dma_wait3A_249, %dma_wait3A_250] : memref<5x40x128xf32, #tpu.memory_space<vmem>> -> memref<1x40x128xf32, #tpu.memory_space<vmem>>
        %dma_wait3A_252 = tpu.memref_squeeze %dma_wait3A_251 : memref<1x40x128xf32, #tpu.memory_space<vmem>> -> memref<40x128xf32, #tpu.memory_space<vmem>>
        tpu.wait_dma2 semaphore(%run_scoped3A_228 : memref<!tpu.dma_semaphore, #tpu.memory_space<semaphore_mem>>) src(%dma_wait3A_252 : memref<40x128xf32, #tpu.memory_space<vmem>>) dst(%dma_wait3A_248 : memref<40x128xf32, #tpu.memory_space<hbm>>)
        tpu.yield
      }) : () -> ()
      %add3A_222 = arith.constant 160 : i32
      %add3A_223 = arith.addi %mul3A_10, %add3A_222 : i32
      %add3A_224 = arith.addi %mul3A_2, %add3A_223 : i32
      %run_scoped3A_225 = arith.constant 4 : i32
      "tpu.region"() ({
        %run_scoped3A_228 = tpu.sem_alloc : memref<!tpu.dma_semaphore, #tpu.memory_space<semaphore_mem>>
        %dma_start3A_229 = arith.constant 0 : i32
        %dma_start3A_230 = arith.constant 0 : i32
        %dma_start3A_231 = tpu.memref_slice %arg10[%run_scoped3A_225, %dma_start3A_229, %dma_start3A_230] : memref<5x40x384xf32, #tpu.memory_space<vmem>> -> memref<1x40x384xf32, #tpu.memory_space<vmem>>
        %dma_start3A_232 = tpu.memref_squeeze %dma_start3A_231 : memref<1x40x384xf32, #tpu.memory_space<vmem>> -> memref<40x384xf32, #tpu.memory_space<vmem>>
        %dma_start3A_233 = arith.constant 0 : i32
        %dma_start3A_234 = tpu.memref_slice %arg6[%add3A_224, %dma_start3A_233] : memref<160000x384xf32, #tpu.memory_space<hbm>> -> memref<40x384xf32, #tpu.memory_space<hbm>>
        %dma_start3A_235 = arith.constant 0 : i32
        %dma_start3A_236 = tpu.memref_slice %arg6[%add3A_224, %dma_start3A_235] : memref<160000x384xf32, #tpu.memory_space<hbm>> -> memref<40x384xf32, #tpu.memory_space<hbm>>
        %dma_start3A_237 = arith.constant 0 : i32
        %dma_start3A_238 = arith.constant 0 : i32
        %dma_start3A_239 = tpu.memref_slice %arg10[%run_scoped3A_225, %dma_start3A_237, %dma_start3A_238] : memref<5x40x384xf32, #tpu.memory_space<vmem>> -> memref<1x40x384xf32, #tpu.memory_space<vmem>>
        %dma_start3A_240 = tpu.memref_squeeze %dma_start3A_239 : memref<1x40x384xf32, #tpu.memory_space<vmem>> -> memref<40x384xf32, #tpu.memory_space<vmem>>
        tpu.enqueue_dma source(%dma_start3A_240 : memref<40x384xf32, #tpu.memory_space<vmem>>) target(%dma_start3A_236 : memref<40x384xf32, #tpu.memory_space<hbm>>) target_semaphore(%run_scoped3A_228 : memref<!tpu.dma_semaphore, #tpu.memory_space<semaphore_mem>>)
        %dma_wait3A_241 = arith.constant 0 : i32
        %dma_wait3A_242 = arith.constant 0 : i32
        %dma_wait3A_243 = tpu.memref_slice %arg10[%run_scoped3A_225, %dma_wait3A_241, %dma_wait3A_242] : memref<5x40x384xf32, #tpu.memory_space<vmem>> -> memref<1x40x384xf32, #tpu.memory_space<vmem>>
        %dma_wait3A_244 = tpu.memref_squeeze %dma_wait3A_243 : memref<1x40x384xf32, #tpu.memory_space<vmem>> -> memref<40x384xf32, #tpu.memory_space<vmem>>
        %dma_wait3A_245 = arith.constant 0 : i32
        %dma_wait3A_246 = tpu.memref_slice %arg6[%add3A_224, %dma_wait3A_245] : memref<160000x384xf32, #tpu.memory_space<hbm>> -> memref<40x384xf32, #tpu.memory_space<hbm>>
        %dma_wait3A_247 = arith.constant 0 : i32
        %dma_wait3A_248 = tpu.memref_slice %arg6[%add3A_224, %dma_wait3A_247] : memref<160000x384xf32, #tpu.memory_space<hbm>> -> memref<40x384xf32, #tpu.memory_space<hbm>>
        %dma_wait3A_249 = arith.constant 0 : i32
        %dma_wait3A_250 = arith.constant 0 : i32
        %dma_wait3A_251 = tpu.memref_slice %arg10[%run_scoped3A_225, %dma_wait3A_249, %dma_wait3A_250] : memref<5x40x384xf32, #tpu.memory_space<vmem>> -> memref<1x40x384xf32, #tpu.memory_space<vmem>>
        %dma_wait3A_252 = tpu.memref_squeeze %dma_wait3A_251 : memref<1x40x384xf32, #tpu.memory_space<vmem>> -> memref<40x384xf32, #tpu.memory_space<vmem>>
        tpu.wait_dma2 semaphore(%run_scoped3A_228 : memref<!tpu.dma_semaphore, #tpu.memory_space<semaphore_mem>>) src(%dma_wait3A_252 : memref<40x384xf32, #tpu.memory_space<vmem>>) dst(%dma_wait3A_248 : memref<40x384xf32, #tpu.memory_space<hbm>>)
        tpu.yield
      }) : () -> ()
      %add3A_226 = arith.addi %mul3A_2, %add3A_223 : i32
      %run_scoped3A_227 = arith.constant 4 : i32
      "tpu.region"() ({
        %run_scoped3A_228 = tpu.sem_alloc : memref<!tpu.dma_semaphore, #tpu.memory_space<semaphore_mem>>
        %dma_start3A_229 = arith.constant 0 : i32
        %dma_start3A_230 = arith.constant 0 : i32
        %dma_start3A_231 = tpu.memref_slice %arg11[%run_scoped3A_227, %dma_start3A_229, %dma_start3A_230] : memref<5x40x128xf32, #tpu.memory_space<vmem>> -> memref<1x40x128xf32, #tpu.memory_space<vmem>>
        %dma_start3A_232 = tpu.memref_squeeze %dma_start3A_231 : memref<1x40x128xf32, #tpu.memory_space<vmem>> -> memref<40x128xf32, #tpu.memory_space<vmem>>
        %dma_start3A_233 = arith.constant 0 : i32
        %dma_start3A_234 = tpu.memref_slice %arg7[%add3A_226, %dma_start3A_233] : memref<160000x128xf32, #tpu.memory_space<hbm>> -> memref<40x128xf32, #tpu.memory_space<hbm>>
        %dma_start3A_235 = arith.constant 0 : i32
        %dma_start3A_236 = tpu.memref_slice %arg7[%add3A_226, %dma_start3A_235] : memref<160000x128xf32, #tpu.memory_space<hbm>> -> memref<40x128xf32, #tpu.memory_space<hbm>>
        %dma_start3A_237 = arith.constant 0 : i32
        %dma_start3A_238 = arith.constant 0 : i32
        %dma_start3A_239 = tpu.memref_slice %arg11[%run_scoped3A_227, %dma_start3A_237, %dma_start3A_238] : memref<5x40x128xf32, #tpu.memory_space<vmem>> -> memref<1x40x128xf32, #tpu.memory_space<vmem>>
        %dma_start3A_240 = tpu.memref_squeeze %dma_start3A_239 : memref<1x40x128xf32, #tpu.memory_space<vmem>> -> memref<40x128xf32, #tpu.memory_space<vmem>>
        tpu.enqueue_dma source(%dma_start3A_240 : memref<40x128xf32, #tpu.memory_space<vmem>>) target(%dma_start3A_236 : memref<40x128xf32, #tpu.memory_space<hbm>>) target_semaphore(%run_scoped3A_228 : memref<!tpu.dma_semaphore, #tpu.memory_space<semaphore_mem>>)
        %dma_wait3A_241 = arith.constant 0 : i32
        %dma_wait3A_242 = arith.constant 0 : i32
        %dma_wait3A_243 = tpu.memref_slice %arg11[%run_scoped3A_227, %dma_wait3A_241, %dma_wait3A_242] : memref<5x40x128xf32, #tpu.memory_space<vmem>> -> memref<1x40x128xf32, #tpu.memory_space<vmem>>
        %dma_wait3A_244 = tpu.memref_squeeze %dma_wait3A_243 : memref<1x40x128xf32, #tpu.memory_space<vmem>> -> memref<40x128xf32, #tpu.memory_space<vmem>>
        %dma_wait3A_245 = arith.constant 0 : i32
        %dma_wait3A_246 = tpu.memref_slice %arg7[%add3A_226, %dma_wait3A_245] : memref<160000x128xf32, #tpu.memory_space<hbm>> -> memref<40x128xf32, #tpu.memory_space<hbm>>
        %dma_wait3A_247 = arith.constant 0 : i32
        %dma_wait3A_248 = tpu.memref_slice %arg7[%add3A_226, %dma_wait3A_247] : memref<160000x128xf32, #tpu.memory_space<hbm>> -> memref<40x128xf32, #tpu.memory_space<hbm>>
        %dma_wait3A_249 = arith.constant 0 : i32
        %dma_wait3A_250 = arith.constant 0 : i32
        %dma_wait3A_251 = tpu.memref_slice %arg11[%run_scoped3A_227, %dma_wait3A_249, %dma_wait3A_250] : memref<5x40x128xf32, #tpu.memory_space<vmem>> -> memref<1x40x128xf32, #tpu.memory_space<vmem>>
        %dma_wait3A_252 = tpu.memref_squeeze %dma_wait3A_251 : memref<1x40x128xf32, #tpu.memory_space<vmem>> -> memref<40x128xf32, #tpu.memory_space<vmem>>
        tpu.wait_dma2 semaphore(%run_scoped3A_228 : memref<!tpu.dma_semaphore, #tpu.memory_space<semaphore_mem>>) src(%dma_wait3A_252 : memref<40x128xf32, #tpu.memory_space<vmem>>) dst(%dma_wait3A_248 : memref<40x128xf32, #tpu.memory_space<hbm>>)
        tpu.yield
      }) : () -> ()
    }
    %scan3A_7 = arith.constant 25 : i32
    return
  }
}

module attributes {stable_mosaic.version = 14 : i64} {
  func.func @_embed_body(%arg0: i32, %arg1: memref<64x512xf32, #tpu.memory_space<vmem>>, %arg2: memref<1000x256xf32, #tpu.memory_space<vmem>>, %arg3: memref<4x256x256xf32, #tpu.memory_space<vmem>>, %arg4: memref<4x256xf32, #tpu.memory_space<vmem>>, %arg5: memref<4x256xf32, #tpu.memory_space<vmem>>, %arg6: memref<256x512xf32, #tpu.memory_space<vmem>>, %arg7: memref<1x256xf32, #tpu.memory_space<vmem>>, %arg8: memref<1000x384xf32, #tpu.memory_space<vmem>>, %arg9: memref<1000x128xf32, #tpu.memory_space<vmem>>) attributes {dimension_semantics = [#tpu.dimension_semantics<arbitrary>], iteration_bounds = array<i64: 10>, scalar_prefetch = 0 : i64, scratch_operands = 0 : i64, tpu.core_type = #tpu.core_type<tc>, window_params = [{pipeline_mode = #tpu.pipeline_mode<synchronous>, transform_indices = @transform_0, window_bounds = array<i64: 64, 512>}, {transform_indices = @transform_1, window_bounds = array<i64: 1000, 256>}, {pipeline_mode = #tpu.pipeline_mode<synchronous>, transform_indices = @transform_2, window_bounds = array<i64: 4, 256, 256>}, {pipeline_mode = #tpu.pipeline_mode<synchronous>, transform_indices = @transform_3, window_bounds = array<i64: 4, 256>}, {pipeline_mode = #tpu.pipeline_mode<synchronous>, transform_indices = @transform_4, window_bounds = array<i64: 4, 256>}, {pipeline_mode = #tpu.pipeline_mode<synchronous>, transform_indices = @transform_5, window_bounds = array<i64: 256, 512>}, {pipeline_mode = #tpu.pipeline_mode<synchronous>, transform_indices = @transform_6, window_bounds = array<i64: 1, 256>}, {transform_indices = @transform_7, window_bounds = array<i64: 1000, 384>}, {transform_indices = @transform_8, window_bounds = array<i64: 1000, 128>}]} {
    %get3A = arith.constant 0 : index
    %get3A_0 = arith.constant 0 : index
    %get3A_1 = vector.load %arg1[%get3A, %get3A_0] : memref<64x512xf32, #tpu.memory_space<vmem>>, vector<64x512xf32>
    %get3A_2 = arith.constant 0 : index
    %get3A_3 = arith.constant 0 : index
    %get3A_4 = vector.load %arg6[%get3A_2, %get3A_3] : memref<256x512xf32, #tpu.memory_space<vmem>>, vector<256x512xf32>
    %dot_general3A = arith.constant dense<0.000000e+00> : vector<64x256xf32>
    %dot_general3A_5 = tpu.matmul %get3A_1, %get3A_4, %dot_general3A {dimension_numbers = #tpu.dot_dimension_numbers<[1], [1], [0], [0], [0, 0, 1, 0], [], []>, precision = #tpu.contract_precision<fp32>, transpose_lhs_hint = false} : vector<64x512xf32>, vector<256x512xf32>, vector<64x256xf32> -> vector<64x256xf32>
    %get3A_6 = arith.constant 0 : index
    %get3A_7 = arith.constant 0 : index
    %get3A_8 = vector.load %arg7[%get3A_6, %get3A_7] : memref<1x256xf32, #tpu.memory_space<vmem>>, vector<1x256xf32>
    %add3A = vector.broadcast %get3A_8 : vector<1x256xf32> to vector<64x256xf32>
    %add3A_9 = arith.addf %dot_general3A_5, %add3A : vector<64x256xf32>
    %get3A_10 = arith.constant 0 : index
    %get3A_11 = arith.constant 0 : index
    %get3A_12 = arith.constant 0 : index
    %get3A_13 = vector.load %arg3[%get3A_10, %get3A_11, %get3A_12] : memref<4x256x256xf32, #tpu.memory_space<vmem>>, vector<4x256x256xf32>
    %slice3A = vector.extract_strided_slice %get3A_13 {offsets = [0, 0, 0], sizes = [1, 256, 256], strides = [1, 1, 1]} : vector<4x256x256xf32> to vector<1x256x256xf32>
    %squeeze3A = vector.shape_cast %slice3A : vector<1x256x256xf32> to vector<256x256xf32>
    %dot_general3A_14 = arith.constant dense<0.000000e+00> : vector<256x64xf32>
    %dot_general3A_15 = tpu.matmul %squeeze3A, %add3A_9, %dot_general3A_14 {dimension_numbers = #tpu.dot_dimension_numbers<[1], [1], [0], [0], [0, 0, 1, 0], [], []>, precision = #tpu.contract_precision<fp32>, transpose_lhs_hint = false} : vector<256x256xf32>, vector<64x256xf32>, vector<256x64xf32> -> vector<256x64xf32>
    %slice3A_16 = vector.extract_strided_slice %get3A_13 {offsets = [1, 0, 0], sizes = [1, 256, 256], strides = [1, 1, 1]} : vector<4x256x256xf32> to vector<1x256x256xf32>
    %squeeze3A_17 = vector.shape_cast %slice3A_16 : vector<1x256x256xf32> to vector<256x256xf32>
    %dot_general3A_18 = arith.constant dense<0.000000e+00> : vector<256x64xf32>
    %dot_general3A_19 = tpu.matmul %squeeze3A_17, %add3A_9, %dot_general3A_18 {dimension_numbers = #tpu.dot_dimension_numbers<[1], [1], [0], [0], [0, 0, 1, 0], [], []>, precision = #tpu.contract_precision<fp32>, transpose_lhs_hint = false} : vector<256x256xf32>, vector<64x256xf32>, vector<256x64xf32> -> vector<256x64xf32>
    %slice3A_20 = vector.extract_strided_slice %get3A_13 {offsets = [2, 0, 0], sizes = [1, 256, 256], strides = [1, 1, 1]} : vector<4x256x256xf32> to vector<1x256x256xf32>
    %squeeze3A_21 = vector.shape_cast %slice3A_20 : vector<1x256x256xf32> to vector<256x256xf32>
    %dot_general3A_22 = arith.constant dense<0.000000e+00> : vector<256x64xf32>
    %dot_general3A_23 = tpu.matmul %squeeze3A_21, %add3A_9, %dot_general3A_22 {dimension_numbers = #tpu.dot_dimension_numbers<[1], [1], [0], [0], [0, 0, 1, 0], [], []>, precision = #tpu.contract_precision<fp32>, transpose_lhs_hint = false} : vector<256x256xf32>, vector<64x256xf32>, vector<256x64xf32> -> vector<256x64xf32>
    %slice3A_24 = vector.extract_strided_slice %get3A_13 {offsets = [3, 0, 0], sizes = [1, 256, 256], strides = [1, 1, 1]} : vector<4x256x256xf32> to vector<1x256x256xf32>
    %squeeze3A_25 = vector.shape_cast %slice3A_24 : vector<1x256x256xf32> to vector<256x256xf32>
    %dot_general3A_26 = arith.constant dense<0.000000e+00> : vector<256x64xf32>
    %dot_general3A_27 = tpu.matmul %squeeze3A_25, %add3A_9, %dot_general3A_26 {dimension_numbers = #tpu.dot_dimension_numbers<[1], [1], [0], [0], [0, 0, 1, 0], [], []>, precision = #tpu.contract_precision<fp32>, transpose_lhs_hint = false} : vector<256x256xf32>, vector<64x256xf32>, vector<256x64xf32> -> vector<256x64xf32>
    %get3A_28 = arith.constant 0 : index
    %get3A_29 = arith.constant 0 : index
    %get3A_30 = vector.load %arg4[%get3A_28, %get3A_29] : memref<4x256xf32, #tpu.memory_space<vmem>>, vector<4x256xf32>
    %slice3A_31 = vector.extract_strided_slice %get3A_30 {offsets = [0, 0], sizes = [1, 256], strides = [1, 1]} : vector<4x256xf32> to vector<1x256xf32>
    %slice3A_32 = vector.extract_strided_slice %get3A_13 {offsets = [0, 0, 0], sizes = [1, 256, 256], strides = [1, 1, 1]} : vector<4x256x256xf32> to vector<1x256x256xf32>
    %squeeze3A_33 = vector.shape_cast %slice3A_32 : vector<1x256x256xf32> to vector<256x256xf32>
    %dot_general3A_34 = arith.constant dense<0.000000e+00> : vector<256x1xf32>
    %dot_general3A_35 = tpu.matmul %squeeze3A_33, %slice3A_31, %dot_general3A_34 {dimension_numbers = #tpu.dot_dimension_numbers<[1], [1], [0], [0], [0, 0, 1, 0], [], []>, precision = #tpu.contract_precision<fp32>, transpose_lhs_hint = false} : vector<256x256xf32>, vector<1x256xf32>, vector<256x1xf32> -> vector<256x1xf32>
    %get3A_36 = arith.constant 0 : index
    %get3A_37 = arith.constant 0 : index
    %get3A_38 = vector.load %arg4[%get3A_36, %get3A_37] : memref<4x256xf32, #tpu.memory_space<vmem>>, vector<4x256xf32>
    %slice3A_39 = vector.extract_strided_slice %get3A_38 {offsets = [1, 0], sizes = [1, 256], strides = [1, 1]} : vector<4x256xf32> to vector<1x256xf32>
    %slice3A_40 = vector.extract_strided_slice %get3A_13 {offsets = [1, 0, 0], sizes = [1, 256, 256], strides = [1, 1, 1]} : vector<4x256x256xf32> to vector<1x256x256xf32>
    %squeeze3A_41 = vector.shape_cast %slice3A_40 : vector<1x256x256xf32> to vector<256x256xf32>
    %dot_general3A_42 = arith.constant dense<0.000000e+00> : vector<256x1xf32>
    %dot_general3A_43 = tpu.matmul %squeeze3A_41, %slice3A_39, %dot_general3A_42 {dimension_numbers = #tpu.dot_dimension_numbers<[1], [1], [0], [0], [0, 0, 1, 0], [], []>, precision = #tpu.contract_precision<fp32>, transpose_lhs_hint = false} : vector<256x256xf32>, vector<1x256xf32>, vector<256x1xf32> -> vector<256x1xf32>
    %get3A_44 = arith.constant 0 : index
    %get3A_45 = arith.constant 0 : index
    %get3A_46 = vector.load %arg4[%get3A_44, %get3A_45] : memref<4x256xf32, #tpu.memory_space<vmem>>, vector<4x256xf32>
    %slice3A_47 = vector.extract_strided_slice %get3A_46 {offsets = [2, 0], sizes = [1, 256], strides = [1, 1]} : vector<4x256xf32> to vector<1x256xf32>
    %slice3A_48 = vector.extract_strided_slice %get3A_13 {offsets = [2, 0, 0], sizes = [1, 256, 256], strides = [1, 1, 1]} : vector<4x256x256xf32> to vector<1x256x256xf32>
    %squeeze3A_49 = vector.shape_cast %slice3A_48 : vector<1x256x256xf32> to vector<256x256xf32>
    %dot_general3A_50 = arith.constant dense<0.000000e+00> : vector<256x1xf32>
    %dot_general3A_51 = tpu.matmul %squeeze3A_49, %slice3A_47, %dot_general3A_50 {dimension_numbers = #tpu.dot_dimension_numbers<[1], [1], [0], [0], [0, 0, 1, 0], [], []>, precision = #tpu.contract_precision<fp32>, transpose_lhs_hint = false} : vector<256x256xf32>, vector<1x256xf32>, vector<256x1xf32> -> vector<256x1xf32>
    %get3A_52 = arith.constant 0 : index
    %get3A_53 = arith.constant 0 : index
    %get3A_54 = vector.load %arg4[%get3A_52, %get3A_53] : memref<4x256xf32, #tpu.memory_space<vmem>>, vector<4x256xf32>
    %slice3A_55 = vector.extract_strided_slice %get3A_54 {offsets = [3, 0], sizes = [1, 256], strides = [1, 1]} : vector<4x256xf32> to vector<1x256xf32>
    %slice3A_56 = vector.extract_strided_slice %get3A_13 {offsets = [3, 0, 0], sizes = [1, 256, 256], strides = [1, 1, 1]} : vector<4x256x256xf32> to vector<1x256x256xf32>
    %squeeze3A_57 = vector.shape_cast %slice3A_56 : vector<1x256x256xf32> to vector<256x256xf32>
    %dot_general3A_58 = arith.constant dense<0.000000e+00> : vector<256x1xf32>
    %dot_general3A_59 = tpu.matmul %squeeze3A_57, %slice3A_55, %dot_general3A_58 {dimension_numbers = #tpu.dot_dimension_numbers<[1], [1], [0], [0], [0, 0, 1, 0], [], []>, precision = #tpu.contract_precision<fp32>, transpose_lhs_hint = false} : vector<256x256xf32>, vector<1x256xf32>, vector<256x1xf32> -> vector<256x1xf32>
    %get3A_60 = arith.constant 0 : index
    %get3A_61 = arith.constant 0 : index
    %get3A_62 = vector.load %arg5[%get3A_60, %get3A_61] : memref<4x256xf32, #tpu.memory_space<vmem>>, vector<4x256xf32>
    %slice3A_63 = vector.extract_strided_slice %get3A_62 {offsets = [0, 0], sizes = [1, 256], strides = [1, 1]} : vector<4x256xf32> to vector<1x256xf32>
    %slice3A_64 = vector.extract_strided_slice %get3A_13 {offsets = [0, 0, 0], sizes = [1, 256, 256], strides = [1, 1, 1]} : vector<4x256x256xf32> to vector<1x256x256xf32>
    %squeeze3A_65 = vector.shape_cast %slice3A_64 : vector<1x256x256xf32> to vector<256x256xf32>
    %dot_general3A_66 = arith.constant dense<0.000000e+00> : vector<256x1xf32>
    %dot_general3A_67 = tpu.matmul %squeeze3A_65, %slice3A_63, %dot_general3A_66 {dimension_numbers = #tpu.dot_dimension_numbers<[1], [1], [0], [0], [0, 0, 1, 0], [], []>, precision = #tpu.contract_precision<fp32>, transpose_lhs_hint = false} : vector<256x256xf32>, vector<1x256xf32>, vector<256x1xf32> -> vector<256x1xf32>
    %get3A_68 = arith.constant 0 : index
    %get3A_69 = arith.constant 0 : index
    %get3A_70 = vector.load %arg5[%get3A_68, %get3A_69] : memref<4x256xf32, #tpu.memory_space<vmem>>, vector<4x256xf32>
    %slice3A_71 = vector.extract_strided_slice %get3A_70 {offsets = [1, 0], sizes = [1, 256], strides = [1, 1]} : vector<4x256xf32> to vector<1x256xf32>
    %slice3A_72 = vector.extract_strided_slice %get3A_13 {offsets = [1, 0, 0], sizes = [1, 256, 256], strides = [1, 1, 1]} : vector<4x256x256xf32> to vector<1x256x256xf32>
    %squeeze3A_73 = vector.shape_cast %slice3A_72 : vector<1x256x256xf32> to vector<256x256xf32>
    %dot_general3A_74 = arith.constant dense<0.000000e+00> : vector<256x1xf32>
    %dot_general3A_75 = tpu.matmul %squeeze3A_73, %slice3A_71, %dot_general3A_74 {dimension_numbers = #tpu.dot_dimension_numbers<[1], [1], [0], [0], [0, 0, 1, 0], [], []>, precision = #tpu.contract_precision<fp32>, transpose_lhs_hint = false} : vector<256x256xf32>, vector<1x256xf32>, vector<256x1xf32> -> vector<256x1xf32>
    %get3A_76 = arith.constant 0 : index
    %get3A_77 = arith.constant 0 : index
    %get3A_78 = vector.load %arg5[%get3A_76, %get3A_77] : memref<4x256xf32, #tpu.memory_space<vmem>>, vector<4x256xf32>
    %slice3A_79 = vector.extract_strided_slice %get3A_78 {offsets = [2, 0], sizes = [1, 256], strides = [1, 1]} : vector<4x256xf32> to vector<1x256xf32>
    %slice3A_80 = vector.extract_strided_slice %get3A_13 {offsets = [2, 0, 0], sizes = [1, 256, 256], strides = [1, 1, 1]} : vector<4x256x256xf32> to vector<1x256x256xf32>
    %squeeze3A_81 = vector.shape_cast %slice3A_80 : vector<1x256x256xf32> to vector<256x256xf32>
    %dot_general3A_82 = arith.constant dense<0.000000e+00> : vector<256x1xf32>
    %dot_general3A_83 = tpu.matmul %squeeze3A_81, %slice3A_79, %dot_general3A_82 {dimension_numbers = #tpu.dot_dimension_numbers<[1], [1], [0], [0], [0, 0, 1, 0], [], []>, precision = #tpu.contract_precision<fp32>, transpose_lhs_hint = false} : vector<256x256xf32>, vector<1x256xf32>, vector<256x1xf32> -> vector<256x1xf32>
    %get3A_84 = arith.constant 0 : index
    %get3A_85 = arith.constant 0 : index
    %get3A_86 = vector.load %arg5[%get3A_84, %get3A_85] : memref<4x256xf32, #tpu.memory_space<vmem>>, vector<4x256xf32>
    %slice3A_87 = vector.extract_strided_slice %get3A_86 {offsets = [3, 0], sizes = [1, 256], strides = [1, 1]} : vector<4x256xf32> to vector<1x256xf32>
    %slice3A_88 = vector.extract_strided_slice %get3A_13 {offsets = [3, 0, 0], sizes = [1, 256, 256], strides = [1, 1, 1]} : vector<4x256x256xf32> to vector<1x256x256xf32>
    %squeeze3A_89 = vector.shape_cast %slice3A_88 : vector<1x256x256xf32> to vector<256x256xf32>
    %dot_general3A_90 = arith.constant dense<0.000000e+00> : vector<256x1xf32>
    %dot_general3A_91 = tpu.matmul %squeeze3A_89, %slice3A_87, %dot_general3A_90 {dimension_numbers = #tpu.dot_dimension_numbers<[1], [1], [0], [0], [0, 0, 1, 0], [], []>, precision = #tpu.contract_precision<fp32>, transpose_lhs_hint = false} : vector<256x256xf32>, vector<1x256xf32>, vector<256x1xf32> -> vector<256x1xf32>
    %broadcast_in_dim3A = arith.constant 0.000000e+00 : f32
    %broadcast_in_dim3A_92 = vector.broadcast %broadcast_in_dim3A : f32 to vector<256x124xf32>
    %concatenate3A = tpu.concatenate %dot_general3A_15, %dot_general3A_19, %dot_general3A_23, %dot_general3A_27, %dot_general3A_35, %dot_general3A_43, %dot_general3A_51, %dot_general3A_59, %broadcast_in_dim3A_92 in 1 : vector<256x64xf32>, vector<256x64xf32>, vector<256x64xf32>, vector<256x64xf32>, vector<256x1xf32>, vector<256x1xf32>, vector<256x1xf32>, vector<256x1xf32>, vector<256x124xf32> -> vector<256x384xf32>
    %broadcast_in_dim3A_93 = arith.constant 0.000000e+00 : f32
    %broadcast_in_dim3A_94 = vector.broadcast %broadcast_in_dim3A_93 : f32 to vector<256x124xf32>
    %concatenate3A_95 = tpu.concatenate %dot_general3A_67, %dot_general3A_75, %dot_general3A_83, %dot_general3A_91, %broadcast_in_dim3A_94 in 1 : vector<256x1xf32>, vector<256x1xf32>, vector<256x1xf32>, vector<256x1xf32>, vector<256x124xf32> -> vector<256x128xf32>
    %get3A_96 = arith.constant 0 : index
    %get3A_97 = arith.constant 0 : index
    %get3A_98 = vector.load %arg2[%get3A_96, %get3A_97] : memref<1000x256xf32, #tpu.memory_space<vmem>>, vector<1000x256xf32>
    %dot_general3A_99 = arith.constant dense<0.000000e+00> : vector<1000x384xf32>
    %dot_general3A_100 = tpu.matmul %get3A_98, %concatenate3A, %dot_general3A_99 {dimension_numbers = #tpu.dot_dimension_numbers<[1], [0], [0], [1], [0, 0, 1, 1], [], []>, precision = #tpu.contract_precision<fp32>, transpose_lhs_hint = false} : vector<1000x256xf32>, vector<256x384xf32>, vector<1000x384xf32> -> vector<1000x384xf32>
    %swap3A = arith.constant 0 : index
    %swap3A_101 = arith.constant 0 : index
    %swap3A_102 = vector.load %arg8[%swap3A, %swap3A_101] : memref<1000x384xf32, #tpu.memory_space<vmem>>, vector<1000x384xf32>
    tpu.vector_store %arg8[%swap3A, %swap3A_101], %dot_general3A_100 {strides = array<i32>} : memref<1000x384xf32, #tpu.memory_space<vmem>>, vector<1000x384xf32>,
    %dot_general3A_103 = arith.constant dense<0.000000e+00> : vector<1000x128xf32>
    %dot_general3A_104 = tpu.matmul %get3A_98, %concatenate3A_95, %dot_general3A_103 {dimension_numbers = #tpu.dot_dimension_numbers<[1], [0], [0], [1], [0, 0, 1, 1], [], []>, precision = #tpu.contract_precision<fp32>, transpose_lhs_hint = false} : vector<1000x256xf32>, vector<256x128xf32>, vector<1000x128xf32> -> vector<1000x128xf32>
    %swap3A_105 = arith.constant 0 : index
    %swap3A_106 = arith.constant 0 : index
    %swap3A_107 = vector.load %arg9[%swap3A_105, %swap3A_106] : memref<1000x128xf32, #tpu.memory_space<vmem>>, vector<1000x128xf32>
    tpu.vector_store %arg9[%swap3A_105, %swap3A_106], %dot_general3A_104 {strides = array<i32>} : memref<1000x128xf32, #tpu.memory_space<vmem>>, vector<1000x128xf32>,
    return
  }
  func.func @transform_0(%arg0: i32) -> (i32, i32) {
    %c0_i32 = arith.constant 0 : i32
    %c0_i32_0 = arith.constant 0 : i32
    %c0_i32_1 = arith.constant 0 : i32
    return %c0_i32, %c0_i32_0 : i32, i32
  }
  func.func @transform_1(%arg0: i32) -> (i32, i32) {
    %c0_i32 = arith.constant 0 : i32
    %c0_i32_0 = arith.constant 0 : i32
    return %arg0, %c0_i32 : i32, i32
  }
  func.func @transform_2(%arg0: i32) -> (i32, i32, i32) {
    %c0_i32 = arith.constant 0 : i32
    %c0_i32_0 = arith.constant 0 : i32
    %c0_i32_1 = arith.constant 0 : i32
    %c0_i32_2 = arith.constant 0 : i32
    return %c0_i32, %c0_i32_0, %c0_i32_1 : i32, i32, i32
  }
  func.func @transform_3(%arg0: i32) -> (i32, i32) {
    %c0_i32 = arith.constant 0 : i32
    %c0_i32_0 = arith.constant 0 : i32
    %c0_i32_1 = arith.constant 0 : i32
    return %c0_i32, %c0_i32_0 : i32, i32
  }
  func.func @transform_4(%arg0: i32) -> (i32, i32) {
    %c0_i32 = arith.constant 0 : i32
    %c0_i32_0 = arith.constant 0 : i32
    %c0_i32_1 = arith.constant 0 : i32
    return %c0_i32, %c0_i32_0 : i32, i32
  }
  func.func @transform_5(%arg0: i32) -> (i32, i32) {
    %c0_i32 = arith.constant 0 : i32
    %c0_i32_0 = arith.constant 0 : i32
    %c0_i32_1 = arith.constant 0 : i32
    return %c0_i32, %c0_i32_0 : i32, i32
  }
  func.func @transform_6(%arg0: i32) -> (i32, i32) {
    %c0_i32 = arith.constant 0 : i32
    %c0_i32_0 = arith.constant 0 : i32
    %c0_i32_1 = arith.constant 0 : i32
    return %c0_i32, %c0_i32_0 : i32, i32
  }
  func.func @transform_7(%arg0: i32) -> (i32, i32) {
    %c0_i32 = arith.constant 0 : i32
    %c0_i32_0 = arith.constant 0 : i32
    return %arg0, %c0_i32 : i32, i32
  }
  func.func @transform_8(%arg0: i32) -> (i32, i32) {
    %c0_i32 = arith.constant 0 : i32
    %c0_i32_0 = arith.constant 0 : i32
    return %arg0, %c0_i32 : i32, i32
  }
}

module attributes {stable_mosaic.version = 14 : i64} {
  func.func @_reduce_body(%arg0: i32, %arg1: memref<2000x384xf32, #tpu.memory_space<vmem>>, %arg2: memref<2000x128xf32, #tpu.memory_space<vmem>>, %arg3: memref<1x1x2000xi32, #tpu.memory_space<vmem>>, %arg4: memref<1024x128xi32, #tpu.memory_space<vmem>>, %arg5: memref<1024x256xf32, #tpu.memory_space<vmem>>, %arg6: memref<1024x8xf32, #tpu.memory_space<vmem>>) attributes {dimension_semantics = [#tpu.dimension_semantics<arbitrary>], iteration_bounds = array<i64: 80>, scalar_prefetch = 0 : i64, scratch_operands = 0 : i64, tpu.core_type = #tpu.core_type<tc>, window_params = [{transform_indices = @transform_0, window_bounds = array<i64: 2000, 384>}, {transform_indices = @transform_1, window_bounds = array<i64: 2000, 128>}, {transform_indices = @transform_2, window_bounds = array<i64: 1, 1, 2000>}, {pipeline_mode = #tpu.pipeline_mode<synchronous>, transform_indices = @transform_3, window_bounds = array<i64: 1024, 128>}, {pipeline_mode = #tpu.pipeline_mode<synchronous>, transform_indices = @transform_4, window_bounds = array<i64: 1024, 256>}, {pipeline_mode = #tpu.pipeline_mode<synchronous>, transform_indices = @transform_5, window_bounds = array<i64: 1024, 8>}]} {
    %eq3A = arith.constant 0 : i32
    %eq3A_0 = arith.cmpi eq, %arg0, %eq3A : i32
    %convert_element_type3A = arith.extui %eq3A_0 : i1 to i32
    %cond3A = arith.constant 0 : i32
    %cond3A_1 = arith.cmpi ne, %convert_element_type3A, %cond3A : i32
    scf.if %cond3A_1 {
      %broadcast_in_dim3A_59 = arith.constant 0.000000e+00 : f32
      %broadcast_in_dim3A_60 = vector.broadcast %broadcast_in_dim3A_59 : f32 to vector<1024x256xf32>
      %swap3A_61 = arith.constant 0 : index
      %swap3A_62 = arith.constant 0 : index
      %swap3A_63 = vector.load %arg5[%swap3A_61, %swap3A_62] : memref<1024x256xf32, #tpu.memory_space<vmem>>, vector<1024x256xf32>
      tpu.vector_store %arg5[%swap3A_61, %swap3A_62], %broadcast_in_dim3A_60 {strides = array<i32>} : memref<1024x256xf32, #tpu.memory_space<vmem>>, vector<1024x256xf32>,
      %broadcast_in_dim3A_64 = arith.constant 0.000000e+00 : f32
      %broadcast_in_dim3A_65 = vector.broadcast %broadcast_in_dim3A_64 : f32 to vector<1024x8xf32>
      %swap3A_66 = arith.constant 0 : index
      %swap3A_67 = arith.constant 0 : index
      %swap3A_68 = vector.load %arg6[%swap3A_66, %swap3A_67] : memref<1024x8xf32, #tpu.memory_space<vmem>>, vector<1024x8xf32>
      tpu.vector_store %arg6[%swap3A_66, %swap3A_67], %broadcast_in_dim3A_65 {strides = array<i32>} : memref<1024x8xf32, #tpu.memory_space<vmem>>, vector<1024x8xf32>,
    } else {
    }
    %get3A = arith.constant 0 : index
    %get3A_2 = arith.constant 0 : index
    %get3A_3 = arith.constant 0 : index
    %get3A_4 = vector.load %arg3[%get3A, %get3A_2, %get3A_3] : memref<1x1x2000xi32, #tpu.memory_space<vmem>>, vector<1x1x2000xi32>
    %get3A_5 = vector.shape_cast %get3A_4 : vector<1x1x2000xi32> to vector<1x2000xi32>
    %get3A_6 = arith.constant 0 : index
    %get3A_7 = arith.constant 0 : index
    %get3A_8 = vector.load %arg4[%get3A_6, %get3A_7] : memref<1024x128xi32, #tpu.memory_space<vmem>>, vector<1024x1xi32>
    %eq3A_9 = vector.broadcast %get3A_8 : vector<1024x1xi32> to vector<1024x2000xi32>
    %eq3A_10 = vector.broadcast %get3A_5 : vector<1x2000xi32> to vector<1024x2000xi32>
    %eq3A_11 = arith.cmpi eq, %eq3A_9, %eq3A_10 : vector<1024x2000xi32>
    %convert_element_type3A_12 = arith.extui %eq3A_11 : vector<1024x2000xi1> to vector<1024x2000xi32>
    %convert_element_type3A_13 = arith.sitofp %convert_element_type3A_12 : vector<1024x2000xi32> to vector<1024x2000xf32>
    %get3A_14 = arith.constant 0 : index
    %get3A_15 = arith.constant 0 : index
    %get3A_16 = vector.load %arg1[%get3A_14, %get3A_15] : memref<2000x384xf32, #tpu.memory_space<vmem>>, vector<2000x384xf32>
    %slice3A = vector.extract_strided_slice %get3A_16 {offsets = [0, 256], sizes = [2000, 4], strides = [1, 1]} : vector<2000x384xf32> to vector<2000x4xf32>
    %get3A_17 = arith.constant 0 : index
    %get3A_18 = arith.constant 0 : index
    %get3A_19 = vector.load %arg2[%get3A_17, %get3A_18] : memref<2000x128xf32, #tpu.memory_space<vmem>>, vector<2000x128xf32>
    %slice3A_20 = vector.extract_strided_slice %get3A_19 {offsets = [0, 0], sizes = [2000, 4], strides = [1, 1]} : vector<2000x128xf32> to vector<2000x4xf32>
    %add3A = arith.addf %slice3A, %slice3A_20 : vector<2000x4xf32>
    %gt3A = arith.constant 0.000000e+00 : f32
    %gt3A_21 = vector.broadcast %gt3A : f32 to vector<2000x4xf32>
    %gt3A_22 = arith.cmpf ogt, %add3A, %gt3A_21 : vector<2000x4xf32>
    %mul3A = arith.constant 2.000000e-01 : f32
    %mul3A_23 = vector.broadcast %mul3A : f32 to vector<2000x4xf32>
    %mul3A_24 = arith.mulf %mul3A_23, %add3A : vector<2000x4xf32>
    %select_n3A = arith.select %gt3A_22, %add3A, %mul3A_24 : vector<2000x4xi1>, vector<2000x4xf32>
    %exp3A = math.exp %select_n3A : vector<2000x4xf32>
    %slice3A_25 = vector.extract_strided_slice %exp3A {offsets = [0, 0], sizes = [2000, 1], strides = [1, 1]} : vector<2000x4xf32> to vector<2000x1xf32>
    %slice3A_26 = vector.extract_strided_slice %get3A_16 {offsets = [0, 0], sizes = [2000, 64], strides = [1, 1]} : vector<2000x384xf32> to vector<2000x64xf32>
    %mul3A_27 = vector.broadcast %slice3A_25 : vector<2000x1xf32> to vector<2000x64xf32>
    %mul3A_28 = arith.mulf %mul3A_27, %slice3A_26 : vector<2000x64xf32>
    %slice3A_29 = vector.extract_strided_slice %exp3A {offsets = [0, 1], sizes = [2000, 1], strides = [1, 1]} : vector<2000x4xf32> to vector<2000x1xf32>
    %slice3A_30 = vector.extract_strided_slice %get3A_16 {offsets = [0, 64], sizes = [2000, 64], strides = [1, 1]} : vector<2000x384xf32> to vector<2000x64xf32>
    %mul3A_31 = vector.broadcast %slice3A_29 : vector<2000x1xf32> to vector<2000x64xf32>
    %mul3A_32 = arith.mulf %mul3A_31, %slice3A_30 : vector<2000x64xf32>
    %slice3A_33 = vector.extract_strided_slice %exp3A {offsets = [0, 2], sizes = [2000, 1], strides = [1, 1]} : vector<2000x4xf32> to vector<2000x1xf32>
    %slice3A_34 = vector.extract_strided_slice %get3A_16 {offsets = [0, 128], sizes = [2000, 64], strides = [1, 1]} : vector<2000x384xf32> to vector<2000x64xf32>
    %mul3A_35 = vector.broadcast %slice3A_33 : vector<2000x1xf32> to vector<2000x64xf32>
    %mul3A_36 = arith.mulf %mul3A_35, %slice3A_34 : vector<2000x64xf32>
    %slice3A_37 = vector.extract_strided_slice %exp3A {offsets = [0, 3], sizes = [2000, 1], strides = [1, 1]} : vector<2000x4xf32> to vector<2000x1xf32>
    %slice3A_38 = vector.extract_strided_slice %get3A_16 {offsets = [0, 192], sizes = [2000, 64], strides = [1, 1]} : vector<2000x384xf32> to vector<2000x64xf32>
    %mul3A_39 = vector.broadcast %slice3A_37 : vector<2000x1xf32> to vector<2000x64xf32>
    %mul3A_40 = arith.mulf %mul3A_39, %slice3A_38 : vector<2000x64xf32>
    %concatenate3A = tpu.concatenate %mul3A_28, %mul3A_32, %mul3A_36, %mul3A_40 in 1 : vector<2000x64xf32>, vector<2000x64xf32>, vector<2000x64xf32>, vector<2000x64xf32> -> vector<2000x256xf32>
    %broadcast_in_dim3A = arith.constant 0.000000e+00 : f32
    %broadcast_in_dim3A_41 = vector.broadcast %broadcast_in_dim3A : f32 to vector<2000x4xf32>
    %concatenate3A_42 = tpu.concatenate %exp3A, %broadcast_in_dim3A_41 in 1 : vector<2000x4xf32>, vector<2000x4xf32> -> vector<2000x8xf32>
    %get3A_43 = arith.constant 0 : index
    %get3A_44 = arith.constant 0 : index
    %get3A_45 = vector.load %arg5[%get3A_43, %get3A_44] : memref<1024x256xf32, #tpu.memory_space<vmem>>, vector<1024x256xf32>
    %dot_general3A = arith.constant dense<0.000000e+00> : vector<1024x256xf32>
    %dot_general3A_46 = tpu.matmul %convert_element_type3A_13, %concatenate3A, %dot_general3A {dimension_numbers = #tpu.dot_dimension_numbers<[1], [0], [0], [1], [0, 0, 1, 1], [], []>, transpose_lhs_hint = false} : vector<1024x2000xf32>, vector<2000x256xf32>, vector<1024x256xf32> -> vector<1024x256xf32>
    %add3A_47 = arith.addf %get3A_45, %dot_general3A_46 : vector<1024x256xf32>
    %swap3A = arith.constant 0 : index
    %swap3A_48 = arith.constant 0 : index
    %swap3A_49 = vector.load %arg5[%swap3A, %swap3A_48] : memref<1024x256xf32, #tpu.memory_space<vmem>>, vector<1024x256xf32>
    tpu.vector_store %arg5[%swap3A, %swap3A_48], %add3A_47 {strides = array<i32>} : memref<1024x256xf32, #tpu.memory_space<vmem>>, vector<1024x256xf32>,
    %get3A_50 = arith.constant 0 : index
    %get3A_51 = arith.constant 0 : index
    %get3A_52 = vector.load %arg6[%get3A_50, %get3A_51] : memref<1024x8xf32, #tpu.memory_space<vmem>>, vector<1024x8xf32>
    %dot_general3A_53 = arith.constant dense<0.000000e+00> : vector<1024x8xf32>
    %dot_general3A_54 = tpu.matmul %convert_element_type3A_13, %concatenate3A_42, %dot_general3A_53 {dimension_numbers = #tpu.dot_dimension_numbers<[1], [0], [0], [1], [0, 0, 1, 1], [], []>, transpose_lhs_hint = false} : vector<1024x2000xf32>, vector<2000x8xf32>, vector<1024x8xf32> -> vector<1024x8xf32>
    %add3A_55 = arith.addf %get3A_52, %dot_general3A_54 : vector<1024x8xf32>
    %swap3A_56 = arith.constant 0 : index
    %swap3A_57 = arith.constant 0 : index
    %swap3A_58 = vector.load %arg6[%swap3A_56, %swap3A_57] : memref<1024x8xf32, #tpu.memory_space<vmem>>, vector<1024x8xf32>
    tpu.vector_store %arg6[%swap3A_56, %swap3A_57], %add3A_55 {strides = array<i32>} : memref<1024x8xf32, #tpu.memory_space<vmem>>, vector<1024x8xf32>,
    return
  }
  func.func @transform_0(%arg0: i32) -> (i32, i32) {
    %c0_i32 = arith.constant 0 : i32
    %c0_i32_0 = arith.constant 0 : i32
    return %arg0, %c0_i32 : i32, i32
  }
  func.func @transform_1(%arg0: i32) -> (i32, i32) {
    %c0_i32 = arith.constant 0 : i32
    %c0_i32_0 = arith.constant 0 : i32
    return %arg0, %c0_i32 : i32, i32
  }
  func.func @transform_2(%arg0: i32) -> (i32, i32, i32) {
    %c0_i32 = arith.constant 0 : i32
    %c0_i32_0 = arith.constant 0 : i32
    %c0_i32_1 = arith.constant 0 : i32
    return %arg0, %c0_i32, %c0_i32_0 : i32, i32, i32
  }
  func.func @transform_3(%arg0: i32) -> (i32, i32) {
    %c0_i32 = arith.constant 0 : i32
    %c0_i32_0 = arith.constant 0 : i32
    %c0_i32_1 = arith.constant 0 : i32
    return %c0_i32, %c0_i32_0 : i32, i32
  }
  func.func @transform_4(%arg0: i32) -> (i32, i32) {
    %c0_i32 = arith.constant 0 : i32
    %c0_i32_0 = arith.constant 0 : i32
    %c0_i32_1 = arith.constant 0 : i32
    return %c0_i32, %c0_i32_0 : i32, i32
  }
  func.func @transform_5(%arg0: i32) -> (i32, i32) {
    %c0_i32 = arith.constant 0 : i32
    %c0_i32_0 = arith.constant 0 : i32
    %c0_i32_1 = arith.constant 0 : i32
    return %c0_i32, %c0_i32_0 : i32, i32
  }
}

module attributes {stable_mosaic.version = 14 : i64} {
  func.func @_pick_body(%arg0: memref<1024x256xf32, #tpu.memory_space<vmem>>, %arg1: memref<1024x8xf32, #tpu.memory_space<vmem>>, %arg2: memref<1024x8xf32, #tpu.memory_space<vmem>>) attributes {dimension_semantics = [], scalar_prefetch = 0 : i64, scratch_operands = 0 : i64, tpu.core_type = #tpu.core_type<tc>} {
    %get3A = arith.constant 0 : index
    %get3A_0 = arith.constant 0 : index
    %get3A_1 = vector.load %arg0[%get3A, %get3A_0] : memref<1024x256xf32, #tpu.memory_space<vmem>>, vector<1024x256xf32>
    %get3A_2 = arith.constant 0 : index
    %get3A_3 = arith.constant 0 : index
    %get3A_4 = vector.load %arg1[%get3A_2, %get3A_3] : memref<1024x8xf32, #tpu.memory_space<vmem>>, vector<1024x8xf32>
    %iota3A = tpu.iota {dimensions = array<i32: 0>} : vector<1024x64xi32>
    %jit3A = arith.constant 16 : i32
    %div3A = vector.broadcast %jit3A : i32 to vector<1024x64xi32>
    %div3A_5 = arith.divsi %iota3A, %div3A : vector<1024x64xi32>
    %sign3A = arith.constant 0 : i32
    %sign3A_6 = vector.broadcast %sign3A : i32 to vector<1024x64xi32>
    %sign3A_7 = arith.cmpi sgt, %iota3A, %sign3A_6 : vector<1024x64xi32>
    %sign3A_8 = arith.extui %sign3A_7 : vector<1024x64xi1> to vector<1024x64xi32>
    %sign3A_9 = arith.constant 0 : i32
    %sign3A_10 = vector.broadcast %sign3A_9 : i32 to vector<1024x64xi32>
    %sign3A_11 = arith.cmpi slt, %iota3A, %sign3A_10 : vector<1024x64xi32>
    %sign3A_12 = arith.extui %sign3A_11 : vector<1024x64xi1> to vector<1024x64xi32>
    %sign3A_13 = arith.subi %sign3A_8, %sign3A_12 : vector<1024x64xi32>
    %sign3A_14 = arith.constant 0 : i32
    %sign3A_15 = arith.cmpi sgt, %jit3A, %sign3A_14 : i32
    %sign3A_16 = arith.extui %sign3A_15 : i1 to i32
    %sign3A_17 = arith.constant 0 : i32
    %sign3A_18 = arith.cmpi slt, %jit3A, %sign3A_17 : i32
    %sign3A_19 = arith.extui %sign3A_18 : i1 to i32
    %sign3A_20 = arith.subi %sign3A_16, %sign3A_19 : i32
    %ne3A = vector.broadcast %sign3A_20 : i32 to vector<1024x64xi32>
    %ne3A_21 = arith.cmpi ne, %sign3A_13, %ne3A : vector<1024x64xi32>
    %rem3A = vector.broadcast %jit3A : i32 to vector<1024x64xi32>
    %rem3A_22 = arith.remsi %iota3A, %rem3A : vector<1024x64xi32>
    %ne3A_23 = arith.constant 0 : i32
    %ne3A_24 = vector.broadcast %ne3A_23 : i32 to vector<1024x64xi32>
    %ne3A_25 = arith.cmpi ne, %rem3A_22, %ne3A_24 : vector<1024x64xi32>
    %and3A = arith.andi %ne3A_21, %ne3A_25 : vector<1024x64xi1>
    %sub3A = arith.constant 1 : i32
    %sub3A_26 = vector.broadcast %sub3A : i32 to vector<1024x64xi32>
    %sub3A_27 = arith.subi %div3A_5, %sub3A_26 : vector<1024x64xi32>
    %select_n3A = arith.select %and3A, %sub3A_27, %div3A_5 : vector<1024x64xi1>, vector<1024x64xi32>
    %iota3A_28 = tpu.iota {dimensions = array<i32: 1>} : vector<1024x64xi32>
    %eq3A = arith.cmpi eq, %select_n3A, %iota3A_28 : vector<1024x64xi32>
    %convert_element_type3A = arith.extui %eq3A : vector<1024x64xi1> to vector<1024x64xi32>
    %convert_element_type3A_29 = arith.sitofp %convert_element_type3A : vector<1024x64xi32> to vector<1024x64xf32>
    %broadcast_in_dim3A = arith.constant 0.000000e+00 : f32
    %broadcast_in_dim3A_30 = vector.broadcast %broadcast_in_dim3A : f32 to vector<1024x1xf32>
    %slice3A = vector.extract_strided_slice %get3A_1 {offsets = [0, 0], sizes = [1024, 64], strides = [1, 1]} : vector<1024x256xf32> to vector<1024x64xf32>
    %mul3A = arith.mulf %slice3A, %convert_element_type3A_29 : vector<1024x64xf32>
    %reduce_sum3A = arith.constant dense<0.000000e+00> : vector<1024xf32>
    %reduce_sum3A_31 = vector.multi_reduction <add>, %mul3A, %reduce_sum3A [1] : vector<1024x64xf32> to vector<1024xf32>
    %broadcast_in_dim3A_32 = vector.shape_cast %reduce_sum3A_31 : vector<1024xf32> to vector<1024x1xf32>
    %slice3A_33 = vector.extract_strided_slice %get3A_4 {offsets = [0, 0], sizes = [1024, 1], strides = [1, 1]} : vector<1024x8xf32> to vector<1024x1xf32>
    %gt3A = arith.constant 0.000000e+00 : f32
    %gt3A_34 = vector.broadcast %gt3A : f32 to vector<1024x1xf32>
    %gt3A_35 = arith.cmpf ogt, %slice3A_33, %gt3A_34 : vector<1024x1xf32>
    %jit3A_36 = arith.constant 1.000000e+00 : f32
    %broadcast_in_dim3A_37 = vector.broadcast %jit3A_36 : f32 to vector<1024x1xf32>
    %select_n3A_38 = arith.select %gt3A_35, %slice3A_33, %broadcast_in_dim3A_37 : vector<1024x1xi1>, vector<1024x1xf32>
    %gt3A_39 = arith.constant 0.000000e+00 : f32
    %gt3A_40 = vector.broadcast %gt3A_39 : f32 to vector<1024x1xf32>
    %gt3A_41 = arith.cmpf ogt, %slice3A_33, %gt3A_40 : vector<1024x1xf32>
    %div3A_42 = arith.divf %broadcast_in_dim3A_32, %select_n3A_38 : vector<1024x1xf32>
    %jit3A_43 = arith.constant 0.000000e+00 : f32
    %broadcast_in_dim3A_44 = vector.broadcast %jit3A_43 : f32 to vector<1024x1xf32>
    %select_n3A_45 = arith.select %gt3A_41, %div3A_42, %broadcast_in_dim3A_44 : vector<1024x1xi1>, vector<1024x1xf32>
    %add3A = arith.addf %broadcast_in_dim3A_30, %select_n3A_45 : vector<1024x1xf32>
    %slice3A_46 = vector.extract_strided_slice %get3A_1 {offsets = [0, 64], sizes = [1024, 64], strides = [1, 1]} : vector<1024x256xf32> to vector<1024x64xf32>
    %mul3A_47 = arith.mulf %slice3A_46, %convert_element_type3A_29 : vector<1024x64xf32>
    %reduce_sum3A_48 = arith.constant dense<0.000000e+00> : vector<1024xf32>
    %reduce_sum3A_49 = vector.multi_reduction <add>, %mul3A_47, %reduce_sum3A_48 [1] : vector<1024x64xf32> to vector<1024xf32>
    %broadcast_in_dim3A_50 = vector.shape_cast %reduce_sum3A_49 : vector<1024xf32> to vector<1024x1xf32>
    %slice3A_51 = vector.extract_strided_slice %get3A_4 {offsets = [0, 1], sizes = [1024, 1], strides = [1, 1]} : vector<1024x8xf32> to vector<1024x1xf32>
    %gt3A_52 = arith.constant 0.000000e+00 : f32
    %gt3A_53 = vector.broadcast %gt3A_52 : f32 to vector<1024x1xf32>
    %gt3A_54 = arith.cmpf ogt, %slice3A_51, %gt3A_53 : vector<1024x1xf32>
    %jit3A_55 = arith.constant 1.000000e+00 : f32
    %broadcast_in_dim3A_56 = vector.broadcast %jit3A_55 : f32 to vector<1024x1xf32>
    %select_n3A_57 = arith.select %gt3A_54, %slice3A_51, %broadcast_in_dim3A_56 : vector<1024x1xi1>, vector<1024x1xf32>
    %gt3A_58 = arith.constant 0.000000e+00 : f32
    %gt3A_59 = vector.broadcast %gt3A_58 : f32 to vector<1024x1xf32>
    %gt3A_60 = arith.cmpf ogt, %slice3A_51, %gt3A_59 : vector<1024x1xf32>
    %div3A_61 = arith.divf %broadcast_in_dim3A_50, %select_n3A_57 : vector<1024x1xf32>
    %jit3A_62 = arith.constant 0.000000e+00 : f32
    %broadcast_in_dim3A_63 = vector.broadcast %jit3A_62 : f32 to vector<1024x1xf32>
    %select_n3A_64 = arith.select %gt3A_60, %div3A_61, %broadcast_in_dim3A_63 : vector<1024x1xi1>, vector<1024x1xf32>
    %add3A_65 = arith.addf %add3A, %select_n3A_64 : vector<1024x1xf32>
    %slice3A_66 = vector.extract_strided_slice %get3A_1 {offsets = [0, 128], sizes = [1024, 64], strides = [1, 1]} : vector<1024x256xf32> to vector<1024x64xf32>
    %mul3A_67 = arith.mulf %slice3A_66, %convert_element_type3A_29 : vector<1024x64xf32>
    %reduce_sum3A_68 = arith.constant dense<0.000000e+00> : vector<1024xf32>
    %reduce_sum3A_69 = vector.multi_reduction <add>, %mul3A_67, %reduce_sum3A_68 [1] : vector<1024x64xf32> to vector<1024xf32>
    %broadcast_in_dim3A_70 = vector.shape_cast %reduce_sum3A_69 : vector<1024xf32> to vector<1024x1xf32>
    %slice3A_71 = vector.extract_strided_slice %get3A_4 {offsets = [0, 2], sizes = [1024, 1], strides = [1, 1]} : vector<1024x8xf32> to vector<1024x1xf32>
    %gt3A_72 = arith.constant 0.000000e+00 : f32
    %gt3A_73 = vector.broadcast %gt3A_72 : f32 to vector<1024x1xf32>
    %gt3A_74 = arith.cmpf ogt, %slice3A_71, %gt3A_73 : vector<1024x1xf32>
    %jit3A_75 = arith.constant 1.000000e+00 : f32
    %broadcast_in_dim3A_76 = vector.broadcast %jit3A_75 : f32 to vector<1024x1xf32>
    %select_n3A_77 = arith.select %gt3A_74, %slice3A_71, %broadcast_in_dim3A_76 : vector<1024x1xi1>, vector<1024x1xf32>
    %gt3A_78 = arith.constant 0.000000e+00 : f32
    %gt3A_79 = vector.broadcast %gt3A_78 : f32 to vector<1024x1xf32>
    %gt3A_80 = arith.cmpf ogt, %slice3A_71, %gt3A_79 : vector<1024x1xf32>
    %div3A_81 = arith.divf %broadcast_in_dim3A_70, %select_n3A_77 : vector<1024x1xf32>
    %jit3A_82 = arith.constant 0.000000e+00 : f32
    %broadcast_in_dim3A_83 = vector.broadcast %jit3A_82 : f32 to vector<1024x1xf32>
    %select_n3A_84 = arith.select %gt3A_80, %div3A_81, %broadcast_in_dim3A_83 : vector<1024x1xi1>, vector<1024x1xf32>
    %add3A_85 = arith.addf %add3A_65, %select_n3A_84 : vector<1024x1xf32>
    %slice3A_86 = vector.extract_strided_slice %get3A_1 {offsets = [0, 192], sizes = [1024, 64], strides = [1, 1]} : vector<1024x256xf32> to vector<1024x64xf32>
    %mul3A_87 = arith.mulf %slice3A_86, %convert_element_type3A_29 : vector<1024x64xf32>
    %reduce_sum3A_88 = arith.constant dense<0.000000e+00> : vector<1024xf32>
    %reduce_sum3A_89 = vector.multi_reduction <add>, %mul3A_87, %reduce_sum3A_88 [1] : vector<1024x64xf32> to vector<1024xf32>
    %broadcast_in_dim3A_90 = vector.shape_cast %reduce_sum3A_89 : vector<1024xf32> to vector<1024x1xf32>
    %slice3A_91 = vector.extract_strided_slice %get3A_4 {offsets = [0, 3], sizes = [1024, 1], strides = [1, 1]} : vector<1024x8xf32> to vector<1024x1xf32>
    %gt3A_92 = arith.constant 0.000000e+00 : f32
    %gt3A_93 = vector.broadcast %gt3A_92 : f32 to vector<1024x1xf32>
    %gt3A_94 = arith.cmpf ogt, %slice3A_91, %gt3A_93 : vector<1024x1xf32>
    %jit3A_95 = arith.constant 1.000000e+00 : f32
    %broadcast_in_dim3A_96 = vector.broadcast %jit3A_95 : f32 to vector<1024x1xf32>
    %select_n3A_97 = arith.select %gt3A_94, %slice3A_91, %broadcast_in_dim3A_96 : vector<1024x1xi1>, vector<1024x1xf32>
    %gt3A_98 = arith.constant 0.000000e+00 : f32
    %gt3A_99 = vector.broadcast %gt3A_98 : f32 to vector<1024x1xf32>
    %gt3A_100 = arith.cmpf ogt, %slice3A_91, %gt3A_99 : vector<1024x1xf32>
    %div3A_101 = arith.divf %broadcast_in_dim3A_90, %select_n3A_97 : vector<1024x1xf32>
    %jit3A_102 = arith.constant 0.000000e+00 : f32
    %broadcast_in_dim3A_103 = vector.broadcast %jit3A_102 : f32 to vector<1024x1xf32>
    %select_n3A_104 = arith.select %gt3A_100, %div3A_101, %broadcast_in_dim3A_103 : vector<1024x1xi1>, vector<1024x1xf32>
    %add3A_105 = arith.addf %add3A_85, %select_n3A_104 : vector<1024x1xf32>
    %div3A_106 = arith.constant 4.000000e+00 : f32
    %div3A_107 = vector.broadcast %div3A_106 : f32 to vector<1024x1xf32>
    %div3A_108 = arith.divf %add3A_105, %div3A_107 : vector<1024x1xf32>
    %broadcast_in_dim3A_109 = vector.shape_cast %div3A_108 : vector<1024x1xf32> to vector<1024x1xf32>
    %broadcast_in_dim3A_110 = vector.broadcast %broadcast_in_dim3A_109 : vector<1024x1xf32> to vector<1024x8xf32>
    %swap3A = arith.constant 0 : index
    %swap3A_111 = arith.constant 0 : index
    %swap3A_112 = vector.load %arg2[%swap3A, %swap3A_111] : memref<1024x8xf32, #tpu.memory_space<vmem>>, vector<1024x8xf32>
    tpu.vector_store %arg2[%swap3A, %swap3A_111], %broadcast_in_dim3A_110 {strides = array<i32>} : memref<1024x8xf32, #tpu.memory_space<vmem>>, vector<1024x8xf32>,
    return
  }
}

module attributes {stable_mosaic.version = 14 : i64} {
  func.func @_lsm_body(%arg0: memref<64x16xf32, #tpu.memory_space<vmem>>, %arg1: memref<64x16xf32, #tpu.memory_space<vmem>>) attributes {dimension_semantics = [], scalar_prefetch = 0 : i64, scratch_operands = 0 : i64, tpu.core_type = #tpu.core_type<tc>} {
    %get3A = arith.constant 0 : index
    %get3A_0 = arith.constant 0 : index
    %get3A_1 = vector.load %arg0[%get3A, %get3A_0] : memref<64x16xf32, #tpu.memory_space<vmem>>, vector<64x16xf32>
    %reduce_max3A = arith.constant dense<0xFF800000> : vector<64xf32>
    %reduce_max3A_2 = vector.multi_reduction <maximumf>, %get3A_1, %reduce_max3A [1] : vector<64x16xf32> to vector<64xf32>
    %broadcast_in_dim3A = vector.shape_cast %reduce_max3A_2 : vector<64xf32> to vector<64x1xf32>
    %sub3A = vector.broadcast %broadcast_in_dim3A : vector<64x1xf32> to vector<64x16xf32>
    %sub3A_3 = arith.subf %get3A_1, %sub3A : vector<64x16xf32>
    %exp3A = math.exp %sub3A_3 : vector<64x16xf32>
    %sub3A_4 = vector.broadcast %broadcast_in_dim3A : vector<64x1xf32> to vector<64x16xf32>
    %sub3A_5 = arith.subf %get3A_1, %sub3A_4 : vector<64x16xf32>
    %reduce_sum3A = arith.constant dense<0.000000e+00> : vector<64xf32>
    %reduce_sum3A_6 = vector.multi_reduction <add>, %exp3A, %reduce_sum3A [1] : vector<64x16xf32> to vector<64xf32>
    %broadcast_in_dim3A_7 = vector.shape_cast %reduce_sum3A_6 : vector<64xf32> to vector<64x1xf32>
    %log3A = math.log %broadcast_in_dim3A_7 : vector<64x1xf32>
    %sub3A_8 = vector.broadcast %log3A : vector<64x1xf32> to vector<64x16xf32>
    %sub3A_9 = arith.subf %sub3A_5, %sub3A_8 : vector<64x16xf32>
    %swap3A = arith.constant 0 : index
    %swap3A_10 = arith.constant 0 : index
    %swap3A_11 = vector.load %arg1[%swap3A, %swap3A_10] : memref<64x16xf32, #tpu.memory_space<vmem>>, vector<64x16xf32>
    tpu.vector_store %arg1[%swap3A, %swap3A_10], %sub3A_9 {strides = array<i32>} : memref<64x16xf32, #tpu.memory_space<vmem>>, vector<64x16xf32>,
    return
  }
}

</mosaic_0001>

<sc_bundles>
// kernel: kernel.7.cloned.1.call-start
scs
__scs_entry_jumppad:
0x0: {  	(pc) =	sbr.rel $0x88, $3  }
0x1: {  	(tag) =	ssettag $0x0;
	lr =	simm.s32 $0x1  }
0x2: {  	[smem:$0x3F98] =	sst lr;
	_ =	strace $0xD0000000  }
0x3: {  	_ = 	snop  }
0x4: {  	_ = 	snop  }
0x5: {  	_ = 	snop  }
0x6: {  	_ = 	snop  }
0x7: {  	_ = 	snop  }
__scs_overlays_trampoline_lowered:
0x8: {  	[smem:$0x3FA7] =	sst s0  }
0x9: {  	[smem:$0x3FA8] =	sst s1  }
0xa: {  	[smem:$0x3FA9] =	sst s2  }
0xb: {  	[smem:$0x3FAA] =	sst s3  }
0xc: {  	[smem:$0x3FAB] =	sst s4  }
0xd: {  	[smem:$0x3FAC] =	sst s5  }
0xe: {  	[smem:$0x3FAD] =	sst s6  }
0xf: {  	[smem:$0x3FAE] =	sst s7  }
0x10: {  	[smem:$0x3FAF] =	sst s8  }
0x11: {  	[smem:$0x3FB0] =	sst s9;
	s0 =	simm.s32 @!p0 $0x0  }
0x12: {  	s1 =	sld [smem:$0x3F96];
	s0 =	simm.s32 @p0 $0x1  }
0x13: {  	[smem:$0x3FB1] =	sst s0;
	s0 =	simm.s32 @!p1 $0x0  }
0x14: {  	s2 =	sld [smem:$0x3F95];
	s0 =	simm.s32 @p1 $0x1  }
0x15: {  	[smem:$0x3FB2] =	sst s0;
	s0 =	simm.s32 @!p2 $0x0  }
0x16: {  	s3 =	sld [smem:$0x3FDB];
	s0 =	simm.s32 @p2 $0x1  }
0x17: {  	s4 =	simm.s32 $0x1BF5;
	[smem:$0x3FB4] =	sst s0  }
0x18: {  	s0 =	sld [smem:$0x3F97];
	_ =	swait.ge [sflag:s4], $0x0  }
0x19: {  	s7 =	sld [smem:$0x3F98]  }
0x1a: {  	s8 =	sadd.s32 $0xFFFFE003, lr  }
0x1b: {  	s9 =	sadd.s32 $0xFFFFFEF7, lr;
	s5 =	simm.s32 $0xFFFFFFFF;
	p2 =	slt.u32 s8, $0xFFFFF086  }
0x1c: {  	p1 =	slt.u32 s9, $0xF7A;
	s5 =	simm.s32 @!p2 $0x0  }
0x1d: {  	s5 =	simm.s32 @p1 $0x1;
	p0 =	seq.s32 s7, s2  }
0x1e: {  	s7 =	smul.u32 @!p0 $0xF7A, s2;
	p2 =	seq.s32 @!p0 s5, $0x0  }
0x1f: {  	s9 =	smul.u32 $0xF7A, s1;
	s8 =	simm.s32 @!p0 $0x1BF5;
	p2 =	por !p2, p0  }
0x20: {  	[sflag:s8] =	ssyncset.s32 @!p0 $0xFFFFF086;
	s6 =	sadd.s32 @!p0 s3, s7;
	s7 =	simm.s32 @!p0 $0x108  }
0x21: {  	s3 =	sadd.s32 s3, s9;
	s6 =	sadd.s32 @!p0 $0x88, s6;
	s7 =	simm.s32 @p2 $0x1082  }
0x22: {  	[simem:s7], [sflag:s8] =	dma.local @!p0 [hbm:s6], $0xF7A  }
0x23: {  	s9 =	sor.u32 $0xD0000000, s2;
	s6 =	simm.s32 $0x108;
	_ =	swait.ge @!p0 [sflag:s8], $0x0  }
0x24: {  	s3 =	sadd.s32 $0x88, s3;
	s6 =	simm.s32 @!p1 $0x1082;
	[sflag:s4] =	ssyncset.s32 $0xFFFFF086  }
0x25: {  	[simem:s6], [sflag:s4] =	dma.local [hbm:s3], $0xF7A  }
0x26: {  	[smem:$0x3F98] =	sst s1;
	(tag) =	ssettag s2;
	_ =	strace s9  }
0x27: {  	s1 =	sld [smem:$0x3FA8]  }
0x28: {  	s2 =	sld [smem:$0x3FA9]  }
0x29: {  	s4 =	sld [smem:$0x3FAB]  }
0x2a: {  	p0 =	seq.s32 s5, $0x0;
	s5 =	sld [smem:$0x3FAC]  }
0x2b: {  	s6 =	sld [smem:$0x3FAD]  }
0x2c: {  	s7 =	sld [smem:$0x3FAE]  }
0x2d: {  	s3 =	simm.s32 $0x108;
	s8 =	sld [smem:$0x3FAF]  }
0x2e: {  	s3 =	simm.s32 @!p0 $0x1082;
	s9 =	sld [smem:$0x3FB0]  }
0x2f: {  	lr =	sadd.s32 s0, s3;
	s0 =	sld [smem:$0x3FA7]  }
0x30: {  	s3 =	sld [smem:$0x3FAA]  }
0x31: {  	[smem:$0x3FB3] =	sst s10  }
0x32: {  	s10 =	sld [smem:$0x3FB1];
	_ =	sdelay $0x3  }
0x33: {  	p0 =	seq.s32 s10, $0x1;
	s10 =	sld [smem:$0x3FB3];
	_ =	sdelay $0x3  }
0x34: {  	[smem:$0x3FB3] =	sst s10  }
0x35: {  	s10 =	sld [smem:$0x3FB2];
	_ =	sdelay $0x3  }
0x36: {  	p1 =	seq.s32 s10, $0x1;
	s10 =	sld [smem:$0x3FB3];
	_ =	sdelay $0x3  }
0x37: {  	[smem:$0x3FB3] =	sst s10  }
0x38: {  	s10 =	sld [smem:$0x3FB4]  }
0x39: {  	_ = 	snop;
	(pc) =	sbr.ind lr, $3  }
0x3a: {  	_ = 	snop  }
0x3b: {  	_ = 	snop  }
0x3c: {  	p2 =	seq.s32 s10, $0x1;
	s10 =	sld [smem:$0x3FB3]  }
0x3d: {  	_ =	shalt  }
0x3e: {  	_ =	shalt  }
0x3f: {  	_ =	shalt  }
0x40: {  	_ =	shalt  }
0x41: {  	_ =	shalt  }
0x42: {  	_ =	shalt  }
0x43: {  	_ =	shalt  }
0x44: {  	_ =	shalt  }
0x45: {  	_ =	shalt  }
0x46: {  	_ =	shalt  }
0x47: {  	_ =	shalt  }
0x48: {  	_ =	shalt  }
0x49: {  	_ =	shalt  }
0x4a: {  	_ =	shalt  }
0x4b: {  	_ =	shalt  }
0x4c: {  	_ =	shalt  }
0x4d: {  	_ =	shalt  }
0x4e: {  	_ =	shalt  }
0x4f: {  	_ =	shalt  }
0x50: {  	_ =	shalt  }
0x51: {  	_ =	shalt  }
0x52: {  	_ =	shalt  }
0x53: {  	_ =	shalt  }
0x54: {  	_ =	shalt  }
0x55: {  	_ =	shalt  }
0x56: {  	_ =	shalt  }
0x57: {  	_ =	shalt  }
0x58: {  	_ =	shalt  }
0x59: {  	_ =	shalt  }
0x5a: {  	_ =	shalt  }
0x5b: {  	_ =	shalt  }
0x5c: {  	_ =	shalt  }
0x5d: {  	_ =	shalt  }
0x5e: {  	_ =	shalt  }
0x5f: {  	_ =	shalt  }
0x60: {  	_ =	shalt  }
0x61: {  	_ =	shalt  }
0x62: {  	_ =	shalt  }
0x63: {  	_ =	shalt  }
0x64: {  	_ =	shalt  }
0x65: {  	_ =	shalt  }
0x66: {  	_ =	shalt  }
0x67: {  	_ =	shalt  }
0x68: {  	_ =	shalt  }
0x69: {  	_ =	shalt  }
0x6a: {  	_ =	shalt  }
0x6b: {  	_ =	shalt  }
0x6c: {  	_ =	shalt  }
0x6d: {  	_ =	shalt  }
0x6e: {  	_ =	shalt  }
0x6f: {  	_ =	shalt  }
0x70: {  	_ =	shalt  }
0x71: {  	_ =	shalt  }
0x72: {  	_ =	shalt  }
0x73: {  	_ =	shalt  }
0x74: {  	_ =	shalt  }
0x75: {  	_ =	shalt  }
0x76: {  	_ =	shalt  }
0x77: {  	_ =	shalt  }
0x78: {  	_ =	shalt  }
0x79: {  	_ =	shalt  }
0x7a: {  	_ =	shalt  }
0x7b: {  	_ =	shalt  }
0x7c: {  	_ =	shalt  }
0x7d: {  	_ =	shalt  }
0x7e: {  	_ =	shalt  }
0x7f: {  	_ =	shalt  }
0x80: {  	_ =	shalt  }
0x81: {  	_ =	shalt  }
0x82: {  	_ =	shalt  }
0x83: {  	_ =	shalt  }
0x84: {  	_ =	shalt  }
0x85: {  	_ =	shalt  }
0x86: {  	_ =	shalt  }
0x87: {  	_ =	shalt  }
.Lfunc_end0:
.L_simem_size_0:
called_computation_lowered:
.L_overlay_start_0:
0x88: {  	s2 =	sld [smem:$0x3FD9]  }
0x89: {  	s3 =	sld [smem:$0x3FFE];
	_ =	sdelay $0x1  }
0x8a: {  	s1 =	srdreg.scid  }
0x8b: {  	s0 =	sand.u32 $0x1, s1  }
0x8c: {  	s16 =	sshll.u32 s0, $0xA;
	s2 =	sadd.s32 s3, s2  }
0x8d: {  	s2 =	sadd.s32 s2, s16  }
0x8e: {  	[smem:$0x3FBF] =	sst s2  }
0x8f: {  	_ = 	snop  }
0x90: {  	(tm) =	ssettm $0x1  }
0x91: {  	s17 =	sld [smem:$0x3FFB];
	_ =	sdelay $0x3  }
0x92: {  	_ =	strace s17  }
0x93: {  	s2 =	sld [smem:$0x3FFC];
	_ =	sdelay $0x3  }
0x94: {  	_ =	strace s2  }
0x95: {  	s2 =	sld [smem:$0x3FFD];
	_ =	sdelay $0x3  }
0x96: {  	_ =	strace s2  }
0x97: {  	_ =	strace $0x8FFFFFFF  }
0x98: {  	s18 =	sld [smem:$0x3FDB];
	_ =	sdelay $0x1  }
0x99: {  	s19 =	simm.s32 $_scs_section_size  }
0x9a: {  	s4 =	simm.s32 $_size__tile_overlayer_lowered;
	s5 =	simm.s32 $_tile_overlayer_lowered  }
0x9b: {  	s22 =	simm.s32 $0x1BFF;
	s21 =	sshll.u32 s5, $0x1;
	s2 =	sadd.s32 s19, s18  }
0x9c: {  	s6 =	simm.s32 $0x0;
	s20 =	sshll.u32 s4, $0x1;
	s4 =	sadd.s32 s21, s2  }
0x9d: {  	[timem:s6], [sflag:s22] =	dma.local [hbm:s4], s20  }
0x9e: {  	_ =	swait.ge [sflag:s22], s20  }
0x9f: {  	s3 =	ssub.s32 $0x0, s20;
	[sflag:s22] =	ssyncset.done $0x0  }
0xa0: {  	[sflag:s22] =	ssyncadd.s32 s3;
	_ =	sdelay $0x1  }
0xa1: {  	s23 =	simm.s32 $0x1B8B  }
0xa2: {  	_ =	swait.ge [sflag:s23], $0x1  }
0xa3: {  	[sflag:s23] =	ssyncset.done $0x0  }
0xa4: {  	s25 =	simm.s32 $0x1B8E;
	s24 =	sld [smem:$0x3FFE];
	[sflag:s23] =	ssyncadd.s32 $0xFFFFFFFF  }
0xa5: {  	s26 =	simm.s32 $execute0_lowered;
	[smem:$0x3FD2] =	sst s25  }
0xa6: {  	s4 =	sshll.u32 s26, $0x1;
	_ =	strace $0x80000046;
	[dreg:$0x1] =	wrdreg $0xFFFFFFFF  }
0xa7: {  	s28 =	simm.s32 $_size_execute0_lowered;
	s2 =	sadd.s32 s2, s4;
	[dreg:$0x0] =	wrdreg $0x0  }
0xa8: {  	s4 =	sshll.u32 s28, $0x1;
	[dreg:$0x2] =	wrdreg s2  }
0xa9: {  	[dreg:$0x3] =	wrdreg s4  }
0xaa: {  	[dreg:$0x4] =	wrdreg $0xC0  }
0xab: {  	_ =	task [dreg:s6], $0x5FFFF  }
0xac: {  	[dreg:$0x1] =	wrdreg $0xFFFFFFFF  }
0xad: {  	[dreg:$0x0] =	wrdreg $0x60  }
0xae: {  	[dreg:$0x2] =	wrdreg s24  }
0xaf: {  	[dreg:$0x3] =	wrdreg $0x9  }
0xb0: {  	_ =	task.clear_ibuf [dreg:s6], $0x4FFFF;
	_ =	strace $0x90000046  }
0xb1: {  	s29 =	simm.s32 $0x9;
	_ =	strace $0x80000048  }
0xb2: {  	_ =	swait.ge [sflag:s29], $0x1  }
0xb3: {  	[sflag:s29] =	ssyncadd.s32 $0xFFFFFFFF  }
0xb4: {  	_ =	strace $0x90000048  }
0xb5: {  	_ =	sfence  }
0xb6: {  	s30 =	sld [smem:$0x0];
	_ =	sdelay $0x2  }
0xb7: {  	s31 =	sshll.u32 s1, $0xD;
	s1 =	sshrl.u32 s1, $0x2  }
0xb8: {  	s3 =	sand.u32 $0x4000, s31;
	s1 =	sadd.s32 s1, s30  }
0xb9: {  	s0 =	sor.u32 s3, s0;
	s1 =	sshll.u32 s1, $0x11  }
0xba: {  	s0 =	sor.u32 s1, s0  }
0xbb: {  	s0 =	sadd.s32 $0x8F2B, s0  }
0xbc: {  	[sflag:s0] =	ssyncadd.remote.s32 $0x1  }
0xbd: {  	_ =	sfence.sel $0xFFFF  }
0xbe: {  	[dreg:$0x0] =	wrdreg $0xFFFFFFFF;
	(pc) =	sbr.abs _section_cstart, $3  }
0xbf: {  	[dreg:$0x1] =	wrdreg $0xFFFFFFFF  }
0xc0: {  	_ =	task.clear_ibuf [dreg:s6], $0x2FFFF;
	_ =	strace $0x9FFFFFFF  }
0xc1: {  	(tm) =	ssettm $0x7FFFFFFF  }
tec
execute0_lowered:
.L_overlay_start_1:
0x0: {  	(tag) =	ssettag $0x1  }
0x1: {  	s5 =	rddreg [dreg:$0x0];
	s2 =	simm.s32 $0x0  }
0x2: {  	s6 =	simm.s32 $0x3000;
	[smem:$0x7FF] =	sst s2  }
0x3: {  	s12 =	simm.s32 $0x3400;
	_ =	strace $0x80000047;
	[dreg:$0x2] =	wrdreg s6  }
0x4: {  	s8 =	simm.s32 $0x3C00;
	[dreg:$0x3] =	wrdreg s12  }
0x5: {  	s14 =	simm.s32 $0x4000;
	[dreg:$0x4] =	wrdreg s8  }
0x6: {  	s0 =	srdreg.scid;
	s15 =	simm.s32 $0x4800;
	[dreg:$0x5] =	wrdreg s14  }
0x7: {  	s11 =	stileid.u32;
	s16 =	simm.s32 $0x4C00;
	[dreg:$0x6] =	wrdreg s15  }
0x8: {  	s17 =	simm.s32 $0x5400;
	s18 =	simm.s32 $0x5800;
	[dreg:$0x7] =	wrdreg s16  }
0x9: {  	s20 =	simm.s32 $0x6000;
	s21 =	simm.s32 $0x6C00;
	[dreg:$0x8] =	wrdreg s17  }
0xa: {  	s22 =	simm.s32 $0x7000;
	s24 =	simm.s32 $0x7800;
	[dreg:$0x9] =	wrdreg s18  }
0xb: {  	s26 =	simm.s32 $0x7C00;
	s28 =	simm.s32 $0x1A400;
	[dreg:$0xa] =	wrdreg s20  }
0xc: {  	s29 =	simm.s32 $0x1;
	s30 =	simm.s32 $0x2;
	[dreg:$0xb] =	wrdreg s21  }
0xd: {  	s31 =	simm.s32 $0x0;
	s0 =	sand.u32 $0x1, s0;
	[dreg:$0xc] =	wrdreg s22  }
0xe: {  	s1 =	sshll.u32 s11, $0x1;
	s3 =	sadd.s32 $0xB200, s5;
	[dreg:$0xd] =	wrdreg s24  }
0xf: {  	s4 =	sadd.s32 $0x80600, s5;
	[dreg:$0xe] =	wrdreg s26;
	s12 =	simm.s32 $0x9000  }
0x10: {  	s13 =	smul.u32 $0x27100, s11;
	s14 =	simm.s32 $0x9C00;
	[dreg:$0x11] =	wrdreg s12  }
0x11: {  	s23 =	smul.u32 $0x2710, s11;
	s15 =	simm.s32 $0xA800;
	[dreg:$0x13] =	wrdreg s14  }
0x12: {  	s1 =	sor.u32 s0, s1;
	s16 =	simm.s32 $0xAC00;
	[dreg:$0x14] =	wrdreg s15  }
0x13: {  	s9 =	ssub.s32 $0x2, s0;
	s17 =	simm.s32 $0xB400;
	[dreg:$0x15] =	wrdreg s16  }
0x14: {  	s25 =	smul.u32 $0x1388, s0;
	s18 =	simm.s32 $0xB800;
	[dreg:$0x16] =	wrdreg s17  }
0x15: {  	s0 =	smul.u32 $0x13880, s0;
	s20 =	simm.s32 $0xC000;
	[dreg:$0x17] =	wrdreg s18  }
0x16: {  	s21 =	simm.s32 $0xC400;
	s24 =	simm.s32 $0xD000;
	[dreg:$0x18] =	wrdreg s20  }
0x17: {  	s26 =	simm.s32 $0xE400;
	s1 =	smul.u32 $0x1388, s1;
	[dreg:$0x19] =	wrdreg s21  }
0x18: {  	s6 =	sadd.s32 s13, s5;
	s10 =	sshrl.u32 s9, $0x1;
	[dreg:$0x1b] =	wrdreg s24  }
0x19: {  	s13 =	simm.s32 $0x9400;
	[dreg:$0x1d] =	wrdreg s26;
	s12 =	simm.s32 $0xF400  }
0x1a: {  	s14 =	simm.s32 $0x10000;
	s15 =	simm.s32 $0x10800;
	[dreg:$0x12] =	wrdreg s13  }
0x1b: {  	s16 =	simm.s32 $0x10C00;
	s17 =	simm.s32 $0x11400;
	[smem:$0x7EF] =	sst s12  }
0x1c: {  	s18 =	simm.s32 $0x12000;
	s20 =	simm.s32 $0x12C00;
	[smem:$0x7F1] =	sst s14  }
0x1d: {  	s21 =	simm.s32 $0x13000;
	s24 =	simm.s32 $0x14400;
	[smem:$0x7F2] =	sst s15  }
0x1e: {  	s26 =	simm.s32 $0x15000;
	s9 =	ssub.s32 s9, s10;
	[smem:$0x7F3] =	sst s16  }
0x1f: {  	s8 =	sadd.s32 s25, s23;
	s10 =	simm.s32 $0x8800;
	[smem:$0x7F4] =	sst s17  }
0x20: {  	s0 =	sadd.s32 s0, s6;
	s23 =	simm.s32 $0xCC00;
	[smem:$0x7F5] =	sst s18  }
0x21: {  	s25 =	simm.s32 $0xD800;
	s13 =	simm.s32 $0xFC00;
	[smem:$0x7F7] =	sst s20  }
0x22: {  	s15 =	simm.s32 $0x3;
	s17 =	simm.s32 $0x2800;
	[smem:$0x7F8] =	sst s21  }
0x23: {  	s18 =	simm.s32 $0x28;
	s20 =	simm.s32 $0x6400;
	[smem:$0x7FB] =	sst s24  }
0x24: {  	s21 =	simm.s32 $0x16800;
	s24 =	simm.s32 $0xDC00;
	[smem:$0x7FD] =	sst s26  }
0x25: {  	s26 =	simm.s32 $0x11800;
	s1 =	sshrl.u32 s1, $0x3;
	[dreg:$0x10] =	wrdreg s10  }
0x26: {  	s9 =	smax.u32 s9, $0x1;
	s11 =	sadd.s32 $0x28, s8;
	[dreg:$0x1a] =	wrdreg s23  }
0x27: {  	s0 =	sadd.s32 $0x7FA800, s0;
	s22 =	sadd.s32 $0x50, s8;
	[dreg:$0x1c] =	wrdreg s25  }
0x28: {  	s10 =	sadd.s32 $0xA0, s8;
	[smem:$0x7F0] =	sst s13;
	s23 =	simm.s32 $0x13C00  }
0x29: {  	s25 =	simm.s32 $0x14800;
	s7 =	sadd.s32 s1, s5;
	[smem:$0x7EA] =	sst s9  }
0x2a: {  	s1 =	sadd.s32 $0xA7800, s5;
	s9 =	simm.s32 $0x8400;
	[smem:$0x7EC] =	sst s0  }
0x2b: {  	s6 =	sshrl.u32 s22, $0x3;
	s22 =	simm.s32 $0x13800;
	[smem:$0x7FA] =	sst s23  }
0x2c: {  	[smem:$0x7FC] =	sst s25;
	s23 =	simm.s32 $0x17C00;
	s25 =	simm.s32 $0x19000  }
0x2d: {  	s19 =	sadd.s32 $0x6200, s7;
	s7 =	sadd.s32 $0x1200, s7;
	[dreg:$0xf] =	wrdreg s9  }
0x2e: {  	s9 =	sshrl.u32 s11, $0x3;
	s6 =	smul.u32 $0x180, s6;
	[smem:$0x7F9] =	sst s22  }
0x2f: {  	s11 =	simm.s32 $0xF000;
	s22 =	simm.s32 $0xA000;
	[smem:$0x7E8] =	sst s19  }
0x30: {  	[smem:$0x7E9] =	sst s7;
	s7 =	sadd.s32 $0xB300, s5;
	s9 =	smul.u32 $0x180, s9  }
0x31: {  	s19 =	sshrl.u32 s8, $0x3;
	[dreg:$0x1f] =	wrdreg s11;
	s8 =	sadd.s32 $0x78, s8  }
0x32: {  	s5 =	smul.u32 $0x180, s19;
	s6 =	sadd.s32 s6, s1;
	s8 =	sshrl.u32 s8, $0x3  }
0x33: {  	s19 =	simm.s32 $0x12400;
	s9 =	sadd.s32 s9, s1;
	[smem:$0x7EE] =	sst s6  }
0x34: {  	s6 =	sshrl.u32 s10, $0x3;
	s8 =	smul.u32 $0x180, s8;
	[smem:$0x7F6] =	sst s19  }
0x35: {  	v2 =	vlaneseq.u32;
	[smem:$0x7EB] =	sst s9;
	s5 =	sadd.s32 s5, s1;
	s6 =	smul.u32 $0x180, s6  }
0x36: {  	vm0 =	vmmov $0xffff;
	vm1 =	vmmov $0xff;
	v1 =	vshrl.u32 v2, $0x3;
	s19 =	simm.s32 $0x15400;
	s9 =	simm.s32 $0xE800;
	[smem:$0x7ED] =	sst s5  }
0x37: {  	v0 =	vand.u32 $0x7, v2;
	v2 =	vor.u32 $0x8, v2;
	v1 =	vmul.u32 $0x8, v1;
	[dreg:$0x1e] =	wrdreg s9;
	s0 =	sadd.s32 s6, s1;
	s1 =	sadd.s32 s8, s1  }
.LBB2_1:
0x38: {  	s5 =	sld [smem:$0x7E8];
	_ =	sdelay $0x2  }
0x39: {  	[tilespmem:s2], [sflag:$0x3] =	stream.linear.gather [hbm4b:s5+s2], $0x1388, $0x38;
	[tilespmem:$0x1B800] =	vst v63  }
0x3a: {  	_ =	swait.ge [sflag:s15], $0x1388  }
0x3b: {  	s16 =	sld [smem:$0x7E9]  }
0x3c: {  	[sflag:s15] =	ssyncset.done $0x0  }
0x3d: {  	s6 =	simm.s32 $0x1400;
	[sflag:s15] =	ssyncadd.s32 $0xFFFFEC78  }
0x3e: {  	[tilespmem:s6], [sflag:$0x3] =	stream.linear.gather [hbm4b:s16+s2], $0x1388, $0x38;
	[tilespmem:$0x1B800] =	vst v63  }
0x3f: {  	_ =	swait.ge [sflag:s15], $0x1388  }
0x40: {  	s12 =	sld [smem:$0x7EE]  }
0x41: {  	s14 =	smov.u32 s1;
	s11 =	sld [smem:$0x7ED]  }
0x42: {  	s13 =	smov.u32 s0;
	[sflag:s15] =	ssyncset.done $0x0;
	s10 =	sld [smem:$0x7EC]  }
0x43: {  	s8 =	simm.s32 $0x0;
	s9 =	sld [smem:$0x7EB];
	[sflag:s15] =	ssyncadd.s32 $0xFFFFEC78  }
.LBB2_2:
0x44: {  	s6 =	sshra.s32 s8, $0x2  }
0x45: {  	v3 =	vld [tilespmem:s6+$0x0];
	_ =	sdelay $0x4  }
0x46: {  	v4 =	vshrl.u32 v3, $0x3  }
0x47: {  	v4 =	vmul.u32 $0x18, v4  }
0x48: {  	v3 =	vand.u32 $0x7, v3  }
0x49: {  	v3 =	vor.u32 v3, v4  }
0x4a: {  	v4 =	vperm.xlane v3, v0;
	_ =	sdelay $0x1  }
0x4b: {  	v4 =	vadd.s32 v1, v4;
	_ =	sdelay $0x1  }
0x4c: {  	v3 =	vperm.xlane v3, v2;
	_ =	sdelay $0x1  }
0x4d: {  	v3 =	vadd.s32 v1, v3  }
0x4e: {  	[tilespmem:s17], [sflag:$0x1] =	stream.indirect_vreg.gather [hbm4b:s3+s2], $0x80, v4, vm0, $0xb8;
	[tilespmem:$0x1B800] =	vst v63  }
0x4f: {  	s5 =	rddreg [dreg:$0x2]  }
0x50: {  	[tilespmem:s5], [sflag:$0x1] =	stream.indirect_vreg.gather [hbm4b:s7+s2], $0x80, v4, vm1, $0xb8;
	[tilespmem:$0x1B800] =	vst v63  }
0x51: {  	s16 =	rddreg [dreg:$0x3]  }
0x52: {  	[tilespmem:s16], [sflag:$0x1] =	stream.indirect_vreg.gather [hbm4b:s3+s2], $0x80, v3, vm0, $0xb8;
	[tilespmem:$0x1B800] =	vst v63  }
0x53: {  	s5 =	rddreg [dreg:$0x4]  }
0x54: {  	[tilespmem:s5], [sflag:$0x1] =	stream.indirect_vreg.gather [hbm4b:s7+s2], $0x80, v3, vm1, $0xb8;
	[tilespmem:$0x1B800] =	vst v63  }
0x55: {  	v3 =	vld [tilespmem:s6+$0x10];
	_ =	sdelay $0x4  }
0x56: {  	v50 =	vshrl.u32 v3, $0x3  }
0x57: {  	v4 =	vmul.u32 $0x18, v50  }
0x58: {  	v3 =	vand.u32 $0x7, v3  }
0x59: {  	v3 =	vor.u32 v3, v4  }
0x5a: {  	v4 =	vperm.xlane v3, v0;
	_ =	sdelay $0x1  }
0x5b: {  	v4 =	vadd.s32 v1, v4;
	_ =	sdelay $0x1  }
0x5c: {  	v3 =	vperm.xlane v3, v2;
	_ =	sdelay $0x1  }
0x5d: {  	s5 =	rddreg [dreg:$0x5];
	v3 =	vadd.s32 v1, v3  }
0x5e: {  	[tilespmem:s5], [sflag:$0x1] =	stream.indirect_vreg.gather [hbm4b:s3+s2], $0x80, v4, vm0, $0xb8;
	[tilespmem:$0x1B800] =	vst v63  }
0x5f: {  	s16 =	rddreg [dreg:$0x6]  }
0x60: {  	[tilespmem:s16], [sflag:$0x1] =	stream.indirect_vreg.gather [hbm4b:s7+s2], $0x80, v4, vm1, $0xb8;
	[tilespmem:$0x1B800] =	vst v63  }
0x61: {  	s5 =	rddreg [dreg:$0x7]  }
0x62: {  	[tilespmem:s5], [sflag:$0x1] =	stream.indirect_vreg.gather [hbm4b:s3+s2], $0x80, v3, vm0, $0xb8;
	[tilespmem:$0x1B800] =	vst v63  }
0x63: {  	s16 =	rddreg [dreg:$0x8]  }
0x64: {  	[tilespmem:s16], [sflag:$0x1] =	stream.indirect_vreg.gather [hbm4b:s7+s2], $0x80, v3, vm1, $0xb8;
	[tilespmem:$0x1B800] =	vst v63  }
0x65: {  	v3 =	vld.msk [tilespmem:s6+$0x20], $0xff;
	_ =	sdelay $0x4  }
0x66: {  	v51 =	vshrl.u32 v3, $0x3  }
0x67: {  	v4 =	vmul.u32 $0x18, v51  }
0x68: {  	v3 =	vand.u32 $0x7, v3  }
0x69: {  	v3 =	vor.u32 v3, v4  }
0x6a: {  	v3 =	vperm.xlane v3, v0;
	_ =	sdelay $0x1  }
0x6b: {  	v3 =	vadd.s32 v1, v3;
	_ =	sdelay $0x3  }
0x6c: {  	s5 =	rddreg [dreg:$0x9]  }
0x6d: {  	[tilespmem:s5], [sflag:$0x1] =	stream.indirect_vreg.gather [hbm4b:s3+s2], $0x80, v3, vm0, $0xb8;
	[tilespmem:$0x1B800] =	vst v63  }
0x6e: {  	s16 =	rddreg [dreg:$0xa]  }
0x6f: {  	[tilespmem:s16], [sflag:$0x1] =	stream.indirect_vreg.gather [hbm4b:s7+s2], $0x80, v3, vm1, $0xb8;
	[tilespmem:$0x1B800] =	vst v63  }
0x70: {  	s16 =	sadd.s32 $0x1400, s6  }
0x71: {  	[tilespmem:s19], [sflag:$0x2] =	stream.indirect.gather [hbm4b:s4+s18], $0x80, s16, s18, $0xb8;
	[tilespmem:$0x1B800] =	vst v63  }
0x72: {  	v3 =	vld [tilespmem:s6+$0x28];
	_ =	sdelay $0x4  }
0x73: {  	v52 =	vshrl.u32 v3, $0x3  }
0x74: {  	v4 =	vmul.u32 $0x18, v52  }
0x75: {  	v3 =	vand.u32 $0x7, v3  }
0x76: {  	v3 =	vor.u32 v3, v4  }
0x77: {  	v4 =	vperm.xlane v3, v0;
	_ =	sdelay $0x1  }
0x78: {  	v4 =	vadd.s32 v1, v4;
	_ =	sdelay $0x1  }
0x79: {  	v3 =	vperm.xlane v3, v2;
	_ =	sdelay $0x1  }
0x7a: {  	v3 =	vadd.s32 v1, v3  }
0x7b: {  	[tilespmem:s20], [sflag:$0x1] =	stream.indirect_vreg.gather [hbm4b:s3+s2], $0x80, v4, vm0, $0xb8;
	[tilespmem:$0x1B800] =	vst v63  }
0x7c: {  	s5 =	rddreg [dreg:$0xb]  }
0x7d: {  	[tilespmem:s5], [sflag:$0x1] =	stream.indirect_vreg.gather [hbm4b:s7+s2], $0x80, v4, vm1, $0xb8;
	[tilespmem:$0x1B800] =	vst v63  }
0x7e: {  	s16 =	rddreg [dreg:$0xc]  }
0x7f: {  	[tilespmem:s16], [sflag:$0x1] =	stream.indirect_vreg.gather [hbm4b:s3+s2], $0x80, v3, vm0, $0xb8;
	[tilespmem:$0x1B800] =	vst v63  }
0x80: {  	s5 =	rddreg [dreg:$0xd]  }
0x81: {  	[tilespmem:s5], [sflag:$0x1] =	stream.indirect_vreg.gather [hbm4b:s7+s2], $0x80, v3, vm1, $0xb8;
	[tilespmem:$0x1B800] =	vst v63  }
0x82: {  	v3 =	vld [tilespmem:s6+$0x38];
	_ =	sdelay $0x4  }
0x83: {  	v53 =	vshrl.u32 v3, $0x3  }
0x84: {  	v4 =	vmul.u32 $0x18, v53  }
0x85: {  	v3 =	vand.u32 $0x7, v3  }
0x86: {  	v3 =	vor.u32 v3, v4  }
0x87: {  	v4 =	vperm.xlane v3, v0;
	_ =	sdelay $0x1  }
0x88: {  	v4 =	vadd.s32 v1, v4;
	_ =	sdelay $0x1  }
0x89: {  	v3 =	vperm.xlane v3, v2;
	_ =	sdelay $0x1  }
0x8a: {  	s5 =	rddreg [dreg:$0xe];
	v3 =	vadd.s32 v1, v3  }
0x8b: {  	[tilespmem:s5], [sflag:$0x1] =	stream.indirect_vreg.gather [hbm4b:s3+s2], $0x80, v4, vm0, $0xb8;
	[tilespmem:$0x1B800] =	vst v63  }
0x8c: {  	s16 =	rddreg [dreg:$0xf]  }
0x8d: {  	[tilespmem:s16], [sflag:$0x1] =	stream.indirect_vreg.gather [hbm4b:s7+s2], $0x80, v4, vm1, $0xb8;
	[tilespmem:$0x1B800] =	vst v63  }
0x8e: {  	s5 =	rddreg [dreg:$0x10]  }
0x8f: {  	[tilespmem:s5], [sflag:$0x1] =	stream.indirect_vreg.gather [hbm4b:s3+s2], $0x80, v3, vm0, $0xb8;
	[tilespmem:$0x1B800] =	vst v63  }
0x90: {  	s16 =	rddreg [dreg:$0x11]  }
0x91: {  	[tilespmem:s16], [sflag:$0x1] =	stream.indirect_vreg.gather [hbm4b:s7+s2], $0x80, v3, vm1, $0xb8;
	[tilespmem:$0x1B800] =	vst v63  }
0x92: {  	v3 =	vld.msk [tilespmem:s6+$0x48], $0xff;
	_ =	sdelay $0x4  }
0x93: {  	v54 =	vshrl.u32 v3, $0x3  }
0x94: {  	v4 =	vmul.u32 $0x18, v54  }
0x95: {  	v3 =	vand.u32 $0x7, v3  }
0x96: {  	v3 =	vor.u32 v3, v4  }
0x97: {  	v3 =	vperm.xlane v3, v0;
	_ =	sdelay $0x1  }
0x98: {  	v3 =	vadd.s32 v1, v3;
	_ =	sdelay $0x3  }
0x99: {  	s5 =	rddreg [dreg:$0x12]  }
0x9a: {  	[tilespmem:s5], [sflag:$0x1] =	stream.indirect_vreg.gather [hbm4b:s3+s2], $0x80, v3, vm0, $0xb8;
	[tilespmem:$0x1B800] =	vst v63  }
0x9b: {  	s16 =	rddreg [dreg:$0x13]  }
0x9c: {  	[tilespmem:s16], [sflag:$0x1] =	stream.indirect_vreg.gather [hbm4b:s7+s2], $0x80, v3, vm1, $0xb8;
	[tilespmem:$0x1B800] =	vst v63  }
0x9d: {  	s16 =	sadd.s32 $0x1428, s6  }
0x9e: {  	[tilespmem:s21], [sflag:$0x2] =	stream.indirect.gather [hbm4b:s4+s18], $0x80, s16, s18, $0xb8;
	[tilespmem:$0x1B800] =	vst v63  }
0x9f: {  	v3 =	vld [tilespmem:s6+$0x50];
	_ =	sdelay $0x4  }
0xa0: {  	v55 =	vshrl.u32 v3, $0x3  }
0xa1: {  	v4 =	vmul.u32 $0x18, v55  }
0xa2: {  	v3 =	vand.u32 $0x7, v3  }
0xa3: {  	v3 =	vor.u32 v3, v4  }
0xa4: {  	v4 =	vperm.xlane v3, v0;
	_ =	sdelay $0x1  }
0xa5: {  	v4 =	vadd.s32 v1, v4;
	_ =	sdelay $0x1  }
0xa6: {  	v3 =	vperm.xlane v3, v2;
	_ =	sdelay $0x1  }
0xa7: {  	v3 =	vadd.s32 v1, v3  }
0xa8: {  	[tilespmem:s22], [sflag:$0x1] =	stream.indirect_vreg.gather [hbm4b:s3+s2], $0x80, v4, vm0, $0xb8;
	[tilespmem:$0x1B800] =	vst v63  }
0xa9: {  	s5 =	rddreg [dreg:$0x14]  }
0xaa: {  	[tilespmem:s5], [sflag:$0x1] =	stream.indirect_vreg.gather [hbm4b:s7+s2], $0x80, v4, vm1, $0xb8;
	[tilespmem:$0x1B800] =	vst v63  }
0xab: {  	s16 =	rddreg [dreg:$0x15]  }
0xac: {  	[tilespmem:s16], [sflag:$0x1] =	stream.indirect_vreg.gather [hbm4b:s3+s2], $0x80, v3, vm0, $0xb8;
	[tilespmem:$0x1B800] =	vst v63  }
0xad: {  	s5 =	rddreg [dreg:$0x16]  }
0xae: {  	[tilespmem:s5], [sflag:$0x1] =	stream.indirect_vreg.gather [hbm4b:s7+s2], $0x80, v3, vm1, $0xb8;
	[tilespmem:$0x1B800] =	vst v63  }
0xaf: {  	v3 =	vld [tilespmem:s6+$0x60];
	_ =	sdelay $0x4  }
0xb0: {  	v56 =	vshrl.u32 v3, $0x3  }
0xb1: {  	v4 =	vmul.u32 $0x18, v56  }
0xb2: {  	v3 =	vand.u32 $0x7, v3  }
0xb3: {  	v3 =	vor.u32 v3, v4  }
0xb4: {  	v4 =	vperm.xlane v3, v0;
	_ =	sdelay $0x1  }
0xb5: {  	v4 =	vadd.s32 v1, v4;
	_ =	sdelay $0x1  }
0xb6: {  	v3 =	vperm.xlane v3, v2;
	_ =	sdelay $0x1  }
0xb7: {  	s5 =	rddreg [dreg:$0x17];
	v3 =	vadd.s32 v1, v3  }
0xb8: {  	[tilespmem:s5], [sflag:$0x1] =	stream.indirect_vreg.gather [hbm4b:s3+s2], $0x80, v4, vm0, $0xb8;
	[tilespmem:$0x1B800] =	vst v63  }
0xb9: {  	s16 =	rddreg [dreg:$0x18]  }
0xba: {  	[tilespmem:s16], [sflag:$0x1] =	stream.indirect_vreg.gather [hbm4b:s7+s2], $0x80, v4, vm1, $0xb8;
	[tilespmem:$0x1B800] =	vst v63  }
0xbb: {  	s5 =	rddreg [dreg:$0x19]  }
0xbc: {  	[tilespmem:s5], [sflag:$0x1] =	stream.indirect_vreg.gather [hbm4b:s3+s2], $0x80, v3, vm0, $0xb8;
	[tilespmem:$0x1B800] =	vst v63  }
0xbd: {  	s16 =	rddreg [dreg:$0x1a]  }
0xbe: {  	[tilespmem:s16], [sflag:$0x1] =	stream.indirect_vreg.gather [hbm4b:s7+s2], $0x80, v3, vm1, $0xb8;
	[tilespmem:$0x1B800] =	vst v63  }
0xbf: {  	v3 =	vld.msk [tilespmem:s6+$0x70], $0xff;
	_ =	sdelay $0x4  }
0xc0: {  	v57 =	vshrl.u32 v3, $0x3  }
0xc1: {  	v4 =	vmul.u32 $0x18, v57  }
0xc2: {  	v3 =	vand.u32 $0x7, v3  }
0xc3: {  	v3 =	vor.u32 v3, v4  }
0xc4: {  	v3 =	vperm.xlane v3, v0;
	_ =	sdelay $0x1  }
0xc5: {  	v3 =	vadd.s32 v1, v3;
	_ =	sdelay $0x3  }
0xc6: {  	s5 =	rddreg [dreg:$0x1b]  }
0xc7: {  	[tilespmem:s5], [sflag:$0x1] =	stream.indirect_vreg.gather [hbm4b:s3+s2], $0x80, v3, vm0, $0xb8;
	[tilespmem:$0x1B800] =	vst v63  }
0xc8: {  	s16 =	rddreg [dreg:$0x1c]  }
0xc9: {  	[tilespmem:s16], [sflag:$0x1] =	stream.indirect_vreg.gather [hbm4b:s7+s2], $0x80, v3, vm1, $0xb8;
	[tilespmem:$0x1B800] =	vst v63  }
0xca: {  	s16 =	sadd.s32 $0x1450, s6  }
0xcb: {  	[tilespmem:s23], [sflag:$0x2] =	stream.indirect.gather [hbm4b:s4+s18], $0x80, s16, s18, $0xb8;
	[tilespmem:$0x1B800] =	vst v63  }
0xcc: {  	v3 =	vld [tilespmem:s6+$0x78];
	_ =	sdelay $0x4  }
0xcd: {  	v58 =	vshrl.u32 v3, $0x3  }
0xce: {  	v4 =	vmul.u32 $0x18, v58  }
0xcf: {  	v3 =	vand.u32 $0x7, v3  }
0xd0: {  	v3 =	vor.u32 v3, v4  }
0xd1: {  	v4 =	vperm.xlane v3, v0;
	_ =	sdelay $0x1  }
0xd2: {  	v4 =	vadd.s32 v1, v4;
	_ =	sdelay $0x1  }
0xd3: {  	v3 =	vperm.xlane v3, v2;
	_ =	sdelay $0x1  }
0xd4: {  	v3 =	vadd.s32 v1, v3  }
0xd5: {  	[tilespmem:s24], [sflag:$0x1] =	stream.indirect_vreg.gather [hbm4b:s3+s2], $0x80, v4, vm0, $0xb8;
	[tilespmem:$0x1B800] =	vst v63  }
0xd6: {  	s5 =	rddreg [dreg:$0x1d]  }
0xd7: {  	[tilespmem:s5], [sflag:$0x1] =	stream.indirect_vreg.gather [hbm4b:s7+s2], $0x80, v4, vm1, $0xb8;
	[tilespmem:$0x1B800] =	vst v63  }
0xd8: {  	s16 =	rddreg [dreg:$0x1e]  }
0xd9: {  	[tilespmem:s16], [sflag:$0x1] =	stream.indirect_vreg.gather [hbm4b:s3+s2], $0x80, v3, vm0, $0xb8;
	[tilespmem:$0x1B800] =	vst v63  }
0xda: {  	s5 =	rddreg [dreg:$0x1f]  }
0xdb: {  	[tilespmem:s5], [sflag:$0x1] =	stream.indirect_vreg.gather [hbm4b:s7+s2], $0x80, v3, vm1, $0xb8;
	[tilespmem:$0x1B800] =	vst v63  }
0xdc: {  	v3 =	vld [tilespmem:s6+$0x88];
	_ =	sdelay $0x4  }
0xdd: {  	v59 =	vshrl.u32 v3, $0x3  }
0xde: {  	v4 =	vmul.u32 $0x18, v59  }
0xdf: {  	v3 =	vand.u32 $0x7, v3  }
0xe0: {  	v3 =	vor.u32 v3, v4  }
0xe1: {  	v4 =	vperm.xlane v3, v0;
	_ =	sdelay $0x1  }
0xe2: {  	v4 =	vadd.s32 v1, v4;
	_ =	sdelay $0x1  }
0xe3: {  	s5 =	sld [smem:$0x7EF];
	v3 =	vperm.xlane v3, v2;
	_ =	sdelay $0x1  }
0xe4: {  	s16 =	sld [smem:$0x7F0];
	v3 =	vadd.s32 v1, v3  }
0xe5: {  	[tilespmem:s5], [sflag:$0x1] =	stream.indirect_vreg.gather [hbm4b:s3+s2], $0x80, v4, vm0, $0xb8;
	[tilespmem:$0x1B800] =	vst v63  }
0xe6: {  	s5 =	sld [smem:$0x7F1]  }
0xe7: {  	[tilespmem:s16], [sflag:$0x1] =	stream.indirect_vreg.gather [hbm4b:s7+s2], $0x80, v4, vm1, $0xb8;
	[tilespmem:$0x1B800] =	vst v63  }
0xe8: {  	s16 =	sld [smem:$0x7F2]  }
0xe9: {  	[tilespmem:s5], [sflag:$0x1] =	stream.indirect_vreg.gather [hbm4b:s3+s2], $0x80, v3, vm0, $0xb8;
	[tilespmem:$0x1B800] =	vst v63  }
0xea: {  	_ = 	snop  }
0xeb: {  	[tilespmem:s16], [sflag:$0x1] =	stream.indirect_vreg.gather [hbm4b:s7+s2], $0x80, v3, vm1, $0xb8;
	[tilespmem:$0x1B800] =	vst v63  }
0xec: {  	v3 =	vld.msk [tilespmem:s6+$0x98], $0xff;
	_ =	sdelay $0x4  }
0xed: {  	v60 =	vshrl.u32 v3, $0x3  }
0xee: {  	v4 =	vmul.u32 $0x18, v60  }
0xef: {  	v3 =	vand.u32 $0x7, v3  }
0xf0: {  	v3 =	vor.u32 v3, v4  }
0xf1: {  	v3 =	vperm.xlane v3, v0;
	_ =	sdelay $0x1  }
0xf2: {  	v3 =	vadd.s32 v1, v3;
	_ =	sdelay $0x1  }
0xf3: {  	s5 =	sld [smem:$0x7F3];
	_ =	sdelay $0x1  }
0xf4: {  	s16 =	sld [smem:$0x7F4]  }
0xf5: {  	[tilespmem:s5], [sflag:$0x1] =	stream.indirect_vreg.gather [hbm4b:s3+s2], $0x80, v3, vm0, $0xb8;
	[tilespmem:$0x1B800] =	vst v63  }
0xf6: {  	_ = 	snop  }
0xf7: {  	[tilespmem:s16], [sflag:$0x1] =	stream.indirect_vreg.gather [hbm4b:s7+s2], $0x80, v3, vm1, $0xb8;
	[tilespmem:$0x1B800] =	vst v63  }
0xf8: {  	s16 =	sadd.s32 $0x1478, s6  }
0xf9: {  	[tilespmem:s25], [sflag:$0x2] =	stream.indirect.gather [hbm4b:s4+s18], $0x80, s16, s18, $0xb8;
	[tilespmem:$0x1B800] =	vst v63  }
0xfa: {  	v3 =	vld [tilespmem:s6+$0xA0];
	_ =	sdelay $0x4  }
0xfb: {  	v61 =	vshrl.u32 v3, $0x3  }
0xfc: {  	v4 =	vmul.u32 $0x18, v61  }
0xfd: {  	v3 =	vand.u32 $0x7, v3  }
0xfe: {  	v3 =	vor.u32 v3, v4  }
0xff: {  	v4 =	vperm.xlane v3, v0;
	_ =	sdelay $0x1  }
0x100: {  	v4 =	vadd.s32 v1, v4;
	_ =	sdelay $0x1  }
0x101: {  	v3 =	vperm.xlane v3, v2;
	_ =	sdelay $0x1  }
0x102: {  	s5 =	sld [smem:$0x7F5];
	v3 =	vadd.s32 v1, v3  }
0x103: {  	[tilespmem:s26], [sflag:$0x1] =	stream.indirect_vreg.gather [hbm4b:s3+s2], $0x80, v4, vm0, $0xb8;
	[tilespmem:$0x1B800] =	vst v63  }
0x104: {  	s16 =	sld [smem:$0x7F6]  }
0x105: {  	[tilespmem:s5], [sflag:$0x1] =	stream.indirect_vreg.gather [hbm4b:s7+s2], $0x80, v4, vm1, $0xb8;
	[tilespmem:$0x1B800] =	vst v63  }
0x106: {  	s5 =	sld [smem:$0x7F7]  }
0x107: {  	[tilespmem:s16], [sflag:$0x1] =	stream.indirect_vreg.gather [hbm4b:s3+s2], $0x80, v3, vm0, $0xb8;
	[tilespmem:$0x1B800] =	vst v63  }
0x108: {  	_ = 	snop  }
0x109: {  	[tilespmem:s5], [sflag:$0x1] =	stream.indirect_vreg.gather [hbm4b:s7+s2], $0x80, v3, vm1, $0xb8;
	[tilespmem:$0x1B800] =	vst v63  }
0x10a: {  	v3 =	vld [tilespmem:s6+$0xB0];
	_ =	sdelay $0x4  }
0x10b: {  	v62 =	vshrl.u32 v3, $0x3  }
0x10c: {  	v4 =	vmul.u32 $0x18, v62  }
0x10d: {  	v3 =	vand.u32 $0x7, v3  }
0x10e: {  	v3 =	vor.u32 v3, v4  }
0x10f: {  	v4 =	vperm.xlane v3, v0;
	_ =	sdelay $0x1  }
0x110: {  	v4 =	vadd.s32 v1, v4;
	_ =	sdelay $0x1  }
0x111: {  	s5 =	sld [smem:$0x7F8];
	v3 =	vperm.xlane v3, v2;
	_ =	sdelay $0x1  }
0x112: {  	s16 =	sld [smem:$0x7F9];
	v3 =	vadd.s32 v1, v3  }
0x113: {  	[tilespmem:s5], [sflag:$0x1] =	stream.indirect_vreg.gather [hbm4b:s3+s2], $0x80, v4, vm0, $0xb8;
	[tilespmem:$0x1B800] =	vst v63  }
0x114: {  	s5 =	sld [smem:$0x7FA]  }
0x115: {  	[tilespmem:s16], [sflag:$0x1] =	stream.indirect_vreg.gather [hbm4b:s7+s2], $0x80, v4, vm1, $0xb8;
	[tilespmem:$0x1B800] =	vst v63  }
0x116: {  	s16 =	sld [smem:$0x7FB]  }
0x117: {  	[tilespmem:s5], [sflag:$0x1] =	stream.indirect_vreg.gather [hbm4b:s3+s2], $0x80, v3, vm0, $0xb8;
	[tilespmem:$0x1B800] =	vst v63  }
0x118: {  	_ = 	snop  }
0x119: {  	[tilespmem:s16], [sflag:$0x1] =	stream.indirect_vreg.gather [hbm4b:s7+s2], $0x80, v3, vm1, $0xb8;
	[tilespmem:$0x1B800] =	vst v63  }
0x11a: {  	v3 =	vld.msk [tilespmem:s6+$0xC0], $0xff;
	_ =	sdelay $0x4  }
0x11b: {  	v63 =	vshrl.u32 v3, $0x3  }
0x11c: {  	v4 =	vmul.u32 $0x18, v63  }
0x11d: {  	v3 =	vand.u32 $0x7, v3  }
0x11e: {  	v3 =	vor.u32 v3, v4  }
0x11f: {  	v3 =	vperm.xlane v3, v0;
	_ =	sdelay $0x1  }
0x120: {  	v3 =	vadd.s32 v1, v3;
	_ =	sdelay $0x1  }
0x121: {  	s5 =	sld [smem:$0x7FC];
	_ =	sdelay $0x1  }
0x122: {  	s16 =	sld [smem:$0x7FD]  }
0x123: {  	[tilespmem:s5], [sflag:$0x1] =	stream.indirect_vreg.gather [hbm4b:s3+s2], $0x80, v3, vm0, $0xb8;
	[tilespmem:$0x1B800] =	vst v63  }
0x124: {  	_ = 	snop  }
0x125: {  	[tilespmem:s16], [sflag:$0x1] =	stream.indirect_vreg.gather [hbm4b:s7+s2], $0x80, v3, vm1, $0xb8;
	[tilespmem:$0x1B800] =	vst v63  }
0x126: {  	s16 =	sadd.s32 $0x14A0, s6  }
0x127: {  	[tilespmem:s28], [sflag:$0x2] =	stream.indirect.gather [hbm4b:s4+s18], $0x80, s16, s18, $0xb8;
	[tilespmem:$0x1B800] =	vst v63  }
0x128: {  	_ =	swait.ge [sflag:s29], $0x3C00  }
0x129: {  	[sflag:s29] =	ssyncset.done $0x0  }
0x12a: {  	[sflag:s29] =	ssyncadd.s32 $0xFFFFC400  }
0x12b: {  	_ =	swait.ge [sflag:s30], $0x1400  }
0x12c: {  	[sflag:s30] =	ssyncset.done $0x0  }
0x12d: {  	[sflag:s30] =	ssyncadd.s32 $0xFFFFEC00  }
0x12e: {  	_ =	swait.ge [sflag:s29], $0x3C00  }
0x12f: {  	[sflag:s29] =	ssyncset.done $0x0  }
0x130: {  	[sflag:s29] =	ssyncadd.s32 $0xFFFFC400  }
0x131: {  	_ =	swait.ge [sflag:s30], $0x1400  }
0x132: {  	[sflag:s30] =	ssyncset.done $0x0  }
0x133: {  	[sflag:s30] =	ssyncadd.s32 $0xFFFFEC00  }
0x134: {  	_ =	swait.ge [sflag:s29], $0x3C00  }
0x135: {  	[sflag:s29] =	ssyncset.done $0x0  }
0x136: {  	[sflag:s29] =	ssyncadd.s32 $0xFFFFC400  }
0x137: {  	_ =	swait.ge [sflag:s30], $0x1400  }
0x138: {  	[sflag:s30] =	ssyncset.done $0x0  }
0x139: {  	[sflag:s30] =	ssyncadd.s32 $0xFFFFEC00  }
0x13a: {  	_ =	swait.ge [sflag:s29], $0x3C00  }
0x13b: {  	[sflag:s29] =	ssyncset.done $0x0  }
0x13c: {  	[sflag:s29] =	ssyncadd.s32 $0xFFFFC400  }
0x13d: {  	_ =	swait.ge [sflag:s30], $0x1400  }
0x13e: {  	[sflag:s30] =	ssyncset.done $0x0  }
0x13f: {  	[sflag:s30] =	ssyncadd.s32 $0xFFFFEC00  }
0x140: {  	_ =	swait.ge [sflag:s29], $0x3C00  }
0x141: {  	[sflag:s29] =	ssyncset.done $0x0  }
0x142: {  	[sflag:s29] =	ssyncadd.s32 $0xFFFFC400  }
0x143: {  	_ =	swait.ge [sflag:s30], $0x1400  }
0x144: {  	[sflag:s30] =	ssyncset.done $0x0  }
0x145: {  	[sflag:s30] =	ssyncadd.s32 $0xFFFFEC00  }
0x146: {  	[hbm4b:s11+s2] =	stream.linear.scatter [tilespmem:s17], [sflag:$0x3], $0x3C00, $0x38;
	[tilespmem:$0x1B800] =	vst v63  }
0x147: {  	_ =	swait.ge [sflag:s15], $0x3C00  }
0x148: {  	[sflag:s15] =	ssyncset.done $0x0  }
0x149: {  	[sflag:s15] =	ssyncadd.s32 $0xFFFFC400  }
0x14a: {  	[hbm4b:s10+s2] =	stream.linear.scatter [tilespmem:s19], [sflag:$0x3], $0x1400, $0x38;
	[tilespmem:$0x1B800] =	vst v63  }
0x14b: {  	_ =	swait.ge [sflag:s15], $0x1400  }
0x14c: {  	[sflag:s15] =	ssyncset.done $0x0  }
0x14d: {  	[sflag:s15] =	ssyncadd.s32 $0xFFFFEC00  }
0x14e: {  	[hbm4b:s9+s2] =	stream.linear.scatter [tilespmem:s20], [sflag:$0x3], $0x3C00, $0x38;
	[tilespmem:$0x1B800] =	vst v63  }
0x14f: {  	_ =	swait.ge [sflag:s15], $0x3C00  }
0x150: {  	[sflag:s15] =	ssyncset.done $0x0  }
0x151: {  	s6 =	sadd.s32 $0x280, s10;
	[sflag:s15] =	ssyncadd.s32 $0xFFFFC400  }
0x152: {  	[hbm4b:s6+s2] =	stream.linear.scatter [tilespmem:s21], [sflag:$0x3], $0x1400, $0x38;
	[tilespmem:$0x1B800] =	vst v63  }
0x153: {  	_ =	swait.ge [sflag:s15], $0x1400  }
0x154: {  	[sflag:s15] =	ssyncset.done $0x0  }
0x155: {  	[sflag:s15] =	ssyncadd.s32 $0xFFFFEC00  }
0x156: {  	[hbm4b:s12+s2] =	stream.linear.scatter [tilespmem:s22], [sflag:$0x3], $0x3C00, $0x38;
	[tilespmem:$0x1B800] =	vst v63  }
0x157: {  	_ =	swait.ge [sflag:s15], $0x3C00  }
0x158: {  	[sflag:s15] =	ssyncset.done $0x0  }
0x159: {  	s16 =	sadd.s32 $0x500, s10;
	[sflag:s15] =	ssyncadd.s32 $0xFFFFC400  }
0x15a: {  	[hbm4b:s16+s2] =	stream.linear.scatter [tilespmem:s23], [sflag:$0x3], $0x1400, $0x38;
	[tilespmem:$0x1B800] =	vst v63  }
0x15b: {  	_ =	swait.ge [sflag:s15], $0x1400  }
0x15c: {  	[sflag:s15] =	ssyncset.done $0x0  }
0x15d: {  	[sflag:s15] =	ssyncadd.s32 $0xFFFFEC00  }
0x15e: {  	[hbm4b:s14+s2] =	stream.linear.scatter [tilespmem:s24], [sflag:$0x3], $0x3C00, $0x38;
	[tilespmem:$0x1B800] =	vst v63  }
0x15f: {  	_ =	swait.ge [sflag:s15], $0x3C00  }
0x160: {  	[sflag:s15] =	ssyncset.done $0x0  }
0x161: {  	s6 =	sadd.s32 $0x780, s10;
	[sflag:s15] =	ssyncadd.s32 $0xFFFFC400  }
0x162: {  	[hbm4b:s6+s2] =	stream.linear.scatter [tilespmem:s25], [sflag:$0x3], $0x1400, $0x38;
	[tilespmem:$0x1B800] =	vst v63  }
0x163: {  	_ =	swait.ge [sflag:s15], $0x1400  }
0x164: {  	[sflag:s15] =	ssyncset.done $0x0  }
0x165: {  	[sflag:s15] =	ssyncadd.s32 $0xFFFFEC00  }
0x166: {  	[hbm4b:s13+s2] =	stream.linear.scatter [tilespmem:s26], [sflag:$0x3], $0x3C00, $0x38;
	[tilespmem:$0x1B800] =	vst v63  }
0x167: {  	_ =	swait.ge [sflag:s15], $0x3C00  }
0x168: {  	p0 =	sne.s32 s8, $0x4B00;
	s8 =	sadd.s32 $0x320, s8;
	[sflag:s15] =	ssyncset.done $0x0  }
.Ltmp0:
0x169: {  	s16 =	sadd.s32 $0xA00, s10;
	[sflag:s15] =	ssyncadd.s32 $0xFFFFC400;
	(pc) =	sbr.rel @p0 .LBB2_2-.Ltmp0, $4  }
0x16a: {  	[hbm4b:s16+s2] =	stream.linear.scatter [tilespmem:s28], [sflag:$0x3], $0x1400, $0x38;
	[tilespmem:$0x1B800] =	vst v63  }
0x16b: {  	s11 =	sadd.s32 $0x2580, s11;
	s9 =	sadd.s32 $0x2580, s9;
	_ =	swait.ge [sflag:s15], $0x1400  }
0x16c: {  	s12 =	sadd.s32 $0x2580, s12;
	s10 =	sadd.s32 $0xC80, s10;
	[sflag:s15] =	ssyncset.done $0x0  }
0x16d: {  	s14 =	sadd.s32 $0x2580, s14;
	s13 =	sadd.s32 $0x2580, s13;
	[sflag:s15] =	ssyncadd.s32 $0xFFFFEC00  }
0x16e: {  	s5 =	sld [smem:$0x7EA];
	_ =	sdelay $0x1  }
0x16f: {  	s31 =	sadd.s32 $0x1, s31  }
0x170: {  	p0 =	sne.s32 s31, s5  }
.Ltmp1:
0x171: {  	_ = 	snop;
	(pc) =	sbr.rel @p0 .LBB2_1-.Ltmp1, $1  }
0x172: {  	_ =	sdelay $0x3  }
0x173: {  	_ =	sfence.sel $0x180000  }
0x174: {  	[bflag:$0x0] =	sbarrier.arrive $0xFFFF  }
0x175: {  	_ =	strace $0x90000047  }
0x176: {  	s0 =	stileid.u32;
	[bflag:$0x2] =	sbarrier.arrive $0xFFFF  }
0x177: {  	p0 =	sne.s32 s0, $0x0;
	s0 =	rddreg [dreg:$0x1]  }
0x178: {  	s0 =	sadd.s32 @!p0 $0x100000, s0  }
0x179: {  	[sflag:s0] =	ssyncadd.tile.s32 @!p0 $0x1;
	_ =	shalt  }
.Lfunc_end2:
_tile_overlayer_lowered:
.L_overlay_start_2:
0x17a: {  	(tag) =	ssettag $0x2  }
0x17b: {  	s0 =	rddreg [dreg:$0x0];
	s2 =	stileid.u32  }
0x17c: {  	s1 =	rddreg [dreg:$0x1];
	p0 =	sne.s32 s2, $0x0  }
0x17d: {  	s3 =	rddreg [dreg:$0x2];
	[bflag:$0x3] =	sbarrier.arrive $0xFFFF;
	s2 =	simm.s32 @!p0 $0x1C03  }
0x17e: {  	[timem:s3], [sflag:s2] =	dma.local @!p0 [hbm:s0], s1  }
0x17f: {  	s0 =	simm.s32 @!p0 $0x3  }
0x180: {  	_ =	swait.ge @!p0 [sflag:s0], s1  }
0x181: {  	s1 =	ssub.s32 @!p0 $0x0, s1;
	[sflag:s0] =	ssyncset.done @!p0 $0x0  }
0x182: {  	[sflag:s0] =	ssyncadd.s32 @!p0 s1  }
0x183: {  	[bflag:$0x3] =	sbarrier.arrive $0xFFFF  }
0x184: {  	_ =	shalt  }

</sc_bundles>
